<compile_context>
chip_gen: v7x
topology: tpu7x:2x2x1
jax: 0.10.2.dev20260603
libtpu: 0.0.44.dev20260713+nightly
codegen_flags: <defaults>
</compile_context>

<pallas_src>
import functools

import jax
import jax.numpy as jnp
from jax import lax
from jax.experimental import pallas as pl
from jax.experimental.pallas import tpu as pltpu
from jax.experimental.pallas import tpu_sc as plsc

_NUM_CORES = 2
_NUM_SUBCORES = 16
_NUM_WORKERS = _NUM_CORES * _NUM_SUBCORES

_IDX_W = 128
_GATHERS_PER_CHUNK = 13
_CHUNK = _IDX_W * _GATHERS_PER_CHUNK


@functools.cache
def _build(n_rows, total, dim):
    rows_per_worker = total // _NUM_WORKERS
    idx_rows = rows_per_worker // _IDX_W
    n_chunks = rows_per_worker // _CHUNK
    assert rows_per_worker % _CHUNK == 0

    mesh = plsc.VectorSubcoreMesh(
        core_axis_name="c", subcore_axis_name="s",
        num_cores=_NUM_CORES, num_subcores=_NUM_SUBCORES)

    @functools.partial(
        pl.kernel,
        out_type=jax.ShapeDtypeStruct((total, dim), jnp.float32),
        mesh=mesh,
        scratch_types=[
            pltpu.VMEM((idx_rows, _IDX_W), jnp.int32),
            pltpu.VMEM((_CHUNK, dim), jnp.float32),
            pltpu.SemaphoreType.DMA,
        ],
        compiler_params=pltpu.CompilerParams(use_tc_tiling_on_sc=False),
    )
    def gather_kernel(tbl_hbm, idx_hbm, out_hbm, idx_v, rows_v, sem):
        cid = lax.axis_index("c")
        sid = lax.axis_index("s")
        wid = sid * _NUM_CORES + cid
        pltpu.sync_copy(idx_hbm.at[wid], idx_v)
        base = wid * rows_per_worker

        def chunk_body(ci, carry):
            copies = []
            for j in range(_GATHERS_PER_CHUNK):
                cp = pltpu.async_copy(
                    tbl_hbm.at[idx_v.at[ci * _GATHERS_PER_CHUNK + j]],
                    rows_v.at[pl.ds(j * _IDX_W, _IDX_W)],
                    sem)
                copies.append(cp)
            for cp in copies:
                cp.wait()
            pltpu.sync_copy(rows_v, out_hbm.at[pl.ds(base + ci * _CHUNK, _CHUNK)])
            return carry

        lax.fori_loop(0, n_chunks, chunk_body, 0)

    return gather_kernel


def kernel(tables, x):
    n_fields, vocab, dim = tables.shape
    batch, _ = x.shape
    total = batch * n_fields

    tbl = tables.reshape(n_fields * vocab, dim)
    offsets = (jnp.arange(n_fields, dtype=jnp.int32) * vocab)[None, :]
    flat_idx = (x + offsets).reshape(
        _NUM_WORKERS, total // (_NUM_WORKERS * _IDX_W), _IDX_W)

    out = _build(n_fields * vocab, total, dim)(tbl, flat_idx)
    return out.reshape(batch, n_fields, dim)

# --- scband reference (transcript-rebuilt; emitter-appended) ---
"""Pipeline reference for scband-transformer-embed-70970039599571 (READ-ONLY COPY).

The authoritative reference and input builder live on the scoring server;
editing this copy changes nothing except your own understanding.
"""

import jax, jax.numpy as jnp
import numpy as np

N_FIELDS = 26
VOCAB = 100000
DIM = 32
BATCH = 16384


def setup_inputs(seed: int = 0) -> dict:
    key = jax.random.key(seed)
    kx, kt = jax.random.split(key)
    x = jax.random.randint(kx, (BATCH, N_FIELDS), 0, VOCAB, dtype=jnp.int32)
    # 26 embedding tables, all (VOCAB, DIM); stacked into one array. idx_map is identity
    # (field i -> table i), so tables[i] corresponds to self.embeddings[i].
    tables = jax.random.normal(kt, (N_FIELDS, VOCAB, DIM), dtype=jnp.float32)
    return {"tables": tables, "x": x}


def reference(tables, x):
    # Faithful translation of TransformerEmbed.forward with idx_map[i][0] == i.
    embs = []
    for i in range(x.shape[-1]):
        emb_idx = i  # idx_map[i][0]
        embx = jnp.take(tables[emb_idx], x[..., i], axis=0)
        embs.append(embx)
    emb = jnp.stack(embs, axis=-2)  # [B, 26, 32]
    # dropout with embed_p=0.0 (and eval mode) is the identity
    return emb

if __name__ == "__main__":
    import jax
    _d = setup_inputs()
    print(jax.jit(kernel)(*tuple(_d.values())))

</pallas_src>

<mosaic_0001>
#map = affine_map<(d0, d1) -> (0, 0)>
#map1 = affine_map<(d0, d1) -> (0, 0, 0)>
module attributes {stable_mosaic.version = 14 : i64} {
  func.func @gather_kernel(%arg0: i32, %arg1: i32, %arg2: memref<2600000x32xf32, #tpu.memory_space<hbm>>, %arg3: memref<32x104x128xi32, #tpu.memory_space<hbm>>, %arg4: memref<425984x32xf32, #tpu.memory_space<hbm>>, %arg5: memref<104x128xi32, #tpu.memory_space<vmem>>, %arg6: memref<1664x32xf32, #tpu.memory_space<vmem>>, %arg7: memref<!tpu.dma_semaphore, #tpu.memory_space<semaphore_mem>>) attributes {dimension_semantics = [#tpu.dimension_semantics<core_parallel>, #tpu.dimension_semantics<subcore_parallel>], iteration_bounds = array<i64: 2, 16>, scalar_prefetch = 0 : i64, scratch_operands = 3 : i64, tpu.core_type = #tpu.core_type<sc_vector_subcore>, window_params = [{transform_indices = #map}, {transform_indices = #map1}, {transform_indices = #map}]} {
    %mul3A = arith.constant 2 : i32
    %mul3A_0 = arith.muli %arg1, %mul3A : i32
    %add3A = arith.addi %mul3A_0, %arg0 : i32
    "tpu.region"() ({
      %run_scoped3A = tpu.sem_alloc : memref<!tpu.dma_semaphore, #tpu.memory_space<semaphore_mem>>
      %dma_start3A = arith.constant 0 : i32
      %dma_start3A_8 = arith.constant 0 : i32
      %dma_start3A_9 = tpu.memref_slice %arg3[%add3A, %dma_start3A, %dma_start3A_8] : memref<32x104x128xi32, #tpu.memory_space<hbm>> -> memref<1x104x128xi32, #tpu.memory_space<hbm>>
      %dma_start3A_10 = tpu.memref_squeeze %dma_start3A_9 : memref<1x104x128xi32, #tpu.memory_space<hbm>> -> memref<104x128xi32, #tpu.memory_space<hbm>>
      %dma_start3A_11 = arith.constant 0 : i32
      %dma_start3A_12 = arith.constant 0 : i32
      %dma_start3A_13 = tpu.memref_slice %arg3[%add3A, %dma_start3A_11, %dma_start3A_12] : memref<32x104x128xi32, #tpu.memory_space<hbm>> -> memref<1x104x128xi32, #tpu.memory_space<hbm>>
      %dma_start3A_14 = tpu.memref_squeeze %dma_start3A_13 : memref<1x104x128xi32, #tpu.memory_space<hbm>> -> memref<104x128xi32, #tpu.memory_space<hbm>>
      tpu.enqueue_dma source(%dma_start3A_14 : memref<104x128xi32, #tpu.memory_space<hbm>>) target(%arg5 : memref<104x128xi32, #tpu.memory_space<vmem>>) target_semaphore(%run_scoped3A : memref<!tpu.dma_semaphore, #tpu.memory_space<semaphore_mem>>)
      %dma_wait3A = arith.constant 0 : i32
      %dma_wait3A_15 = arith.constant 0 : i32
      %dma_wait3A_16 = tpu.memref_slice %arg3[%add3A, %dma_wait3A, %dma_wait3A_15] : memref<32x104x128xi32, #tpu.memory_space<hbm>> -> memref<1x104x128xi32, #tpu.memory_space<hbm>>
      %dma_wait3A_17 = tpu.memref_squeeze %dma_wait3A_16 : memref<1x104x128xi32, #tpu.memory_space<hbm>> -> memref<104x128xi32, #tpu.memory_space<hbm>>
      %dma_wait3A_18 = arith.constant 0 : i32
      %dma_wait3A_19 = arith.constant 0 : i32
      %dma_wait3A_20 = tpu.memref_slice %arg3[%add3A, %dma_wait3A_18, %dma_wait3A_19] : memref<32x104x128xi32, #tpu.memory_space<hbm>> -> memref<1x104x128xi32, #tpu.memory_space<hbm>>
      %dma_wait3A_21 = tpu.memref_squeeze %dma_wait3A_20 : memref<1x104x128xi32, #tpu.memory_space<hbm>> -> memref<104x128xi32, #tpu.memory_space<hbm>>
      tpu.wait_dma2 semaphore(%run_scoped3A : memref<!tpu.dma_semaphore, #tpu.memory_space<semaphore_mem>>) src(%dma_wait3A_21 : memref<104x128xi32, #tpu.memory_space<hbm>>) dst(%arg5 : memref<104x128xi32, #tpu.memory_space<vmem>>)
      tpu.yield
    }) : () -> ()
    %mul3A_1 = arith.constant 13312 : i32
    %mul3A_2 = arith.muli %add3A, %mul3A_1 : i32
    %scan3A = arith.constant 0 : i32
    %scan3A_3 = arith.constant 0 : i32
    %scan3A_4 = arith.constant 8 : i32
    %scan3A_5 = arith.addi %scan3A_3, %scan3A_4 : i32
    %scan3A_6 = arith.constant 1 : i32
    scf.for %scan3A_8 = %scan3A_3 to %scan3A_5 step %scan3A_6  : i32 {
      %mul3A_9 = arith.constant 13 : i32
      %mul3A_10 = arith.muli %scan3A_8, %mul3A_9 : i32
      %add3A_11 = arith.constant 0 : i32
      %add3A_12 = arith.addi %mul3A_10, %add3A_11 : i32
      %dma_start3A = arith.constant 0 : i32
      %dma_start3A_13 = arith.constant 0 : i32
      %dma_start3A_14 = tpu.memref_slice %arg6[%dma_start3A, %dma_start3A_13] : memref<1664x32xf32, #tpu.memory_space<vmem>> -> memref<128x32xf32, #tpu.memory_space<vmem>>
      %dma_start3A_15 = arith.constant 0 : i32
      %dma_start3A_16 = tpu.memref_slice %arg5[%add3A_12, %dma_start3A_15] : memref<104x128xi32, #tpu.memory_space<vmem>> -> memref<1x128xi32, #tpu.memory_space<vmem>>
      %dma_start3A_17 = tpu.memref_squeeze %dma_start3A_16 : memref<1x128xi32, #tpu.memory_space<vmem>> -> memref<128xi32, #tpu.memory_space<vmem>>
      %dma_start3A_18 = arith.constant 0 : i32
      %dma_start3A_19 = arith.constant 0 : i32
      %dma_start3A_20 = tpu.memref_slice %arg2[%dma_start3A_18, %dma_start3A_19] : memref<2600000x32xf32, #tpu.memory_space<hbm>> -> memref<2600000x32xf32, #tpu.memory_space<hbm>>
      tpu.enqueue_indirect_dma source(%dma_start3A_20 : memref<2600000x32xf32, #tpu.memory_space<hbm>>) target(%dma_start3A_14 : memref<128x32xf32, #tpu.memory_space<vmem>>) offsets(%dma_start3A_17 : memref<128xi32, #tpu.memory_space<vmem>>) semaphore(%arg7 : memref<!tpu.dma_semaphore, #tpu.memory_space<semaphore_mem>>)
      %mul3A_21 = arith.constant 13 : i32
      %mul3A_22 = arith.muli %scan3A_8, %mul3A_21 : i32
      %add3A_23 = arith.constant 1 : i32
      %add3A_24 = arith.addi %mul3A_22, %add3A_23 : i32
      %dma_start3A_25 = arith.constant 128 : i32
      %dma_start3A_26 = arith.constant 0 : i32
      %dma_start3A_27 = tpu.memref_slice %arg6[%dma_start3A_25, %dma_start3A_26] : memref<1664x32xf32, #tpu.memory_space<vmem>> -> memref<128x32xf32, #tpu.memory_space<vmem>>
      %dma_start3A_28 = arith.constant 0 : i32
      %dma_start3A_29 = tpu.memref_slice %arg5[%add3A_24, %dma_start3A_28] : memref<104x128xi32, #tpu.memory_space<vmem>> -> memref<1x128xi32, #tpu.memory_space<vmem>>
      %dma_start3A_30 = tpu.memref_squeeze %dma_start3A_29 : memref<1x128xi32, #tpu.memory_space<vmem>> -> memref<128xi32, #tpu.memory_space<vmem>>
      %dma_start3A_31 = arith.constant 0 : i32
      %dma_start3A_32 = arith.constant 0 : i32
      %dma_start3A_33 = tpu.memref_slice %arg2[%dma_start3A_31, %dma_start3A_32] : memref<2600000x32xf32, #tpu.memory_space<hbm>> -> memref<2600000x32xf32, #tpu.memory_space<hbm>>
      tpu.enqueue_indirect_dma source(%dma_start3A_33 : memref<2600000x32xf32, #tpu.memory_space<hbm>>) target(%dma_start3A_27 : memref<128x32xf32, #tpu.memory_space<vmem>>) offsets(%dma_start3A_30 : memref<128xi32, #tpu.memory_space<vmem>>) semaphore(%arg7 : memref<!tpu.dma_semaphore, #tpu.memory_space<semaphore_mem>>)
      %mul3A_34 = arith.constant 13 : i32
      %mul3A_35 = arith.muli %scan3A_8, %mul3A_34 : i32
      %add3A_36 = arith.constant 2 : i32
      %add3A_37 = arith.addi %mul3A_35, %add3A_36 : i32
      %dma_start3A_38 = arith.constant 256 : i32
      %dma_start3A_39 = arith.constant 0 : i32
      %dma_start3A_40 = tpu.memref_slice %arg6[%dma_start3A_38, %dma_start3A_39] : memref<1664x32xf32, #tpu.memory_space<vmem>> -> memref<128x32xf32, #tpu.memory_space<vmem>>
      %dma_start3A_41 = arith.constant 0 : i32
      %dma_start3A_42 = tpu.memref_slice %arg5[%add3A_37, %dma_start3A_41] : memref<104x128xi32, #tpu.memory_space<vmem>> -> memref<1x128xi32, #tpu.memory_space<vmem>>
      %dma_start3A_43 = tpu.memref_squeeze %dma_start3A_42 : memref<1x128xi32, #tpu.memory_space<vmem>> -> memref<128xi32, #tpu.memory_space<vmem>>
      %dma_start3A_44 = arith.constant 0 : i32
      %dma_start3A_45 = arith.constant 0 : i32
      %dma_start3A_46 = tpu.memref_slice %arg2[%dma_start3A_44, %dma_start3A_45] : memref<2600000x32xf32, #tpu.memory_space<hbm>> -> memref<2600000x32xf32, #tpu.memory_space<hbm>>
      tpu.enqueue_indirect_dma source(%dma_start3A_46 : memref<2600000x32xf32, #tpu.memory_space<hbm>>) target(%dma_start3A_40 : memref<128x32xf32, #tpu.memory_space<vmem>>) offsets(%dma_start3A_43 : memref<128xi32, #tpu.memory_space<vmem>>) semaphore(%arg7 : memref<!tpu.dma_semaphore, #tpu.memory_space<semaphore_mem>>)
      %mul3A_47 = arith.constant 13 : i32
      %mul3A_48 = arith.muli %scan3A_8, %mul3A_47 : i32
      %add3A_49 = arith.constant 3 : i32
      %add3A_50 = arith.addi %mul3A_48, %add3A_49 : i32
      %dma_start3A_51 = arith.constant 384 : i32
      %dma_start3A_52 = arith.constant 0 : i32
      %dma_start3A_53 = tpu.memref_slice %arg6[%dma_start3A_51, %dma_start3A_52] : memref<1664x32xf32, #tpu.memory_space<vmem>> -> memref<128x32xf32, #tpu.memory_space<vmem>>
      %dma_start3A_54 = arith.constant 0 : i32
      %dma_start3A_55 = tpu.memref_slice %arg5[%add3A_50, %dma_start3A_54] : memref<104x128xi32, #tpu.memory_space<vmem>> -> memref<1x128xi32, #tpu.memory_space<vmem>>
      %dma_start3A_56 = tpu.memref_squeeze %dma_start3A_55 : memref<1x128xi32, #tpu.memory_space<vmem>> -> memref<128xi32, #tpu.memory_space<vmem>>
      %dma_start3A_57 = arith.constant 0 : i32
      %dma_start3A_58 = arith.constant 0 : i32
      %dma_start3A_59 = tpu.memref_slice %arg2[%dma_start3A_57, %dma_start3A_58] : memref<2600000x32xf32, #tpu.memory_space<hbm>> -> memref<2600000x32xf32, #tpu.memory_space<hbm>>
      tpu.enqueue_indirect_dma source(%dma_start3A_59 : memref<2600000x32xf32, #tpu.memory_space<hbm>>) target(%dma_start3A_53 : memref<128x32xf32, #tpu.memory_space<vmem>>) offsets(%dma_start3A_56 : memref<128xi32, #tpu.memory_space<vmem>>) semaphore(%arg7 : memref<!tpu.dma_semaphore, #tpu.memory_space<semaphore_mem>>)
      %mul3A_60 = arith.constant 13 : i32
      %mul3A_61 = arith.muli %scan3A_8, %mul3A_60 : i32
      %add3A_62 = arith.constant 4 : i32
      %add3A_63 = arith.addi %mul3A_61, %add3A_62 : i32
      %dma_start3A_64 = arith.constant 512 : i32
      %dma_start3A_65 = arith.constant 0 : i32
      %dma_start3A_66 = tpu.memref_slice %arg6[%dma_start3A_64, %dma_start3A_65] : memref<1664x32xf32, #tpu.memory_space<vmem>> -> memref<128x32xf32, #tpu.memory_space<vmem>>
      %dma_start3A_67 = arith.constant 0 : i32
      %dma_start3A_68 = tpu.memref_slice %arg5[%add3A_63, %dma_start3A_67] : memref<104x128xi32, #tpu.memory_space<vmem>> -> memref<1x128xi32, #tpu.memory_space<vmem>>
      %dma_start3A_69 = tpu.memref_squeeze %dma_start3A_68 : memref<1x128xi32, #tpu.memory_space<vmem>> -> memref<128xi32, #tpu.memory_space<vmem>>
      %dma_start3A_70 = arith.constant 0 : i32
      %dma_start3A_71 = arith.constant 0 : i32
      %dma_start3A_72 = tpu.memref_slice %arg2[%dma_start3A_70, %dma_start3A_71] : memref<2600000x32xf32, #tpu.memory_space<hbm>> -> memref<2600000x32xf32, #tpu.memory_space<hbm>>
      tpu.enqueue_indirect_dma source(%dma_start3A_72 : memref<2600000x32xf32, #tpu.memory_space<hbm>>) target(%dma_start3A_66 : memref<128x32xf32, #tpu.memory_space<vmem>>) offsets(%dma_start3A_69 : memref<128xi32, #tpu.memory_space<vmem>>) semaphore(%arg7 : memref<!tpu.dma_semaphore, #tpu.memory_space<semaphore_mem>>)
      %mul3A_73 = arith.constant 13 : i32
      %mul3A_74 = arith.muli %scan3A_8, %mul3A_73 : i32
      %add3A_75 = arith.constant 5 : i32
      %add3A_76 = arith.addi %mul3A_74, %add3A_75 : i32
      %dma_start3A_77 = arith.constant 640 : i32
      %dma_start3A_78 = arith.constant 0 : i32
      %dma_start3A_79 = tpu.memref_slice %arg6[%dma_start3A_77, %dma_start3A_78] : memref<1664x32xf32, #tpu.memory_space<vmem>> -> memref<128x32xf32, #tpu.memory_space<vmem>>
      %dma_start3A_80 = arith.constant 0 : i32
      %dma_start3A_81 = tpu.memref_slice %arg5[%add3A_76, %dma_start3A_80] : memref<104x128xi32, #tpu.memory_space<vmem>> -> memref<1x128xi32, #tpu.memory_space<vmem>>
      %dma_start3A_82 = tpu.memref_squeeze %dma_start3A_81 : memref<1x128xi32, #tpu.memory_space<vmem>> -> memref<128xi32, #tpu.memory_space<vmem>>
      %dma_start3A_83 = arith.constant 0 : i32
      %dma_start3A_84 = arith.constant 0 : i32
      %dma_start3A_85 = tpu.memref_slice %arg2[%dma_start3A_83, %dma_start3A_84] : memref<2600000x32xf32, #tpu.memory_space<hbm>> -> memref<2600000x32xf32, #tpu.memory_space<hbm>>
      tpu.enqueue_indirect_dma source(%dma_start3A_85 : memref<2600000x32xf32, #tpu.memory_space<hbm>>) target(%dma_start3A_79 : memref<128x32xf32, #tpu.memory_space<vmem>>) offsets(%dma_start3A_82 : memref<128xi32, #tpu.memory_space<vmem>>) semaphore(%arg7 : memref<!tpu.dma_semaphore, #tpu.memory_space<semaphore_mem>>)
      %mul3A_86 = arith.constant 13 : i32
      %mul3A_87 = arith.muli %scan3A_8, %mul3A_86 : i32
      %add3A_88 = arith.constant 6 : i32
      %add3A_89 = arith.addi %mul3A_87, %add3A_88 : i32
      %dma_start3A_90 = arith.constant 768 : i32
      %dma_start3A_91 = arith.constant 0 : i32
      %dma_start3A_92 = tpu.memref_slice %arg6[%dma_start3A_90, %dma_start3A_91] : memref<1664x32xf32, #tpu.memory_space<vmem>> -> memref<128x32xf32, #tpu.memory_space<vmem>>
      %dma_start3A_93 = arith.constant 0 : i32
      %dma_start3A_94 = tpu.memref_slice %arg5[%add3A_89, %dma_start3A_93] : memref<104x128xi32, #tpu.memory_space<vmem>> -> memref<1x128xi32, #tpu.memory_space<vmem>>
      %dma_start3A_95 = tpu.memref_squeeze %dma_start3A_94 : memref<1x128xi32, #tpu.memory_space<vmem>> -> memref<128xi32, #tpu.memory_space<vmem>>
      %dma_start3A_96 = arith.constant 0 : i32
      %dma_start3A_97 = arith.constant 0 : i32
      %dma_start3A_98 = tpu.memref_slice %arg2[%dma_start3A_96, %dma_start3A_97] : memref<2600000x32xf32, #tpu.memory_space<hbm>> -> memref<2600000x32xf32, #tpu.memory_space<hbm>>
      tpu.enqueue_indirect_dma source(%dma_start3A_98 : memref<2600000x32xf32, #tpu.memory_space<hbm>>) target(%dma_start3A_92 : memref<128x32xf32, #tpu.memory_space<vmem>>) offsets(%dma_start3A_95 : memref<128xi32, #tpu.memory_space<vmem>>) semaphore(%arg7 : memref<!tpu.dma_semaphore, #tpu.memory_space<semaphore_mem>>)
      %mul3A_99 = arith.constant 13 : i32
      %mul3A_100 = arith.muli %scan3A_8, %mul3A_99 : i32
      %add3A_101 = arith.constant 7 : i32
      %add3A_102 = arith.addi %mul3A_100, %add3A_101 : i32
      %dma_start3A_103 = arith.constant 896 : i32
      %dma_start3A_104 = arith.constant 0 : i32
      %dma_start3A_105 = tpu.memref_slice %arg6[%dma_start3A_103, %dma_start3A_104] : memref<1664x32xf32, #tpu.memory_space<vmem>> -> memref<128x32xf32, #tpu.memory_space<vmem>>
      %dma_start3A_106 = arith.constant 0 : i32
      %dma_start3A_107 = tpu.memref_slice %arg5[%add3A_102, %dma_start3A_106] : memref<104x128xi32, #tpu.memory_space<vmem>> -> memref<1x128xi32, #tpu.memory_space<vmem>>
      %dma_start3A_108 = tpu.memref_squeeze %dma_start3A_107 : memref<1x128xi32, #tpu.memory_space<vmem>> -> memref<128xi32, #tpu.memory_space<vmem>>
      %dma_start3A_109 = arith.constant 0 : i32
      %dma_start3A_110 = arith.constant 0 : i32
      %dma_start3A_111 = tpu.memref_slice %arg2[%dma_start3A_109, %dma_start3A_110] : memref<2600000x32xf32, #tpu.memory_space<hbm>> -> memref<2600000x32xf32, #tpu.memory_space<hbm>>
      tpu.enqueue_indirect_dma source(%dma_start3A_111 : memref<2600000x32xf32, #tpu.memory_space<hbm>>) target(%dma_start3A_105 : memref<128x32xf32, #tpu.memory_space<vmem>>) offsets(%dma_start3A_108 : memref<128xi32, #tpu.memory_space<vmem>>) semaphore(%arg7 : memref<!tpu.dma_semaphore, #tpu.memory_space<semaphore_mem>>)
      %mul3A_112 = arith.constant 13 : i32
      %mul3A_113 = arith.muli %scan3A_8, %mul3A_112 : i32
      %add3A_114 = arith.constant 8 : i32
      %add3A_115 = arith.addi %mul3A_113, %add3A_114 : i32
      %dma_start3A_116 = arith.constant 1024 : i32
      %dma_start3A_117 = arith.constant 0 : i32
      %dma_start3A_118 = tpu.memref_slice %arg6[%dma_start3A_116, %dma_start3A_117] : memref<1664x32xf32, #tpu.memory_space<vmem>> -> memref<128x32xf32, #tpu.memory_space<vmem>>
      %dma_start3A_119 = arith.constant 0 : i32
      %dma_start3A_120 = tpu.memref_slice %arg5[%add3A_115, %dma_start3A_119] : memref<104x128xi32, #tpu.memory_space<vmem>> -> memref<1x128xi32, #tpu.memory_space<vmem>>
      %dma_start3A_121 = tpu.memref_squeeze %dma_start3A_120 : memref<1x128xi32, #tpu.memory_space<vmem>> -> memref<128xi32, #tpu.memory_space<vmem>>
      %dma_start3A_122 = arith.constant 0 : i32
      %dma_start3A_123 = arith.constant 0 : i32
      %dma_start3A_124 = tpu.memref_slice %arg2[%dma_start3A_122, %dma_start3A_123] : memref<2600000x32xf32, #tpu.memory_space<hbm>> -> memref<2600000x32xf32, #tpu.memory_space<hbm>>
      tpu.enqueue_indirect_dma source(%dma_start3A_124 : memref<2600000x32xf32, #tpu.memory_space<hbm>>) target(%dma_start3A_118 : memref<128x32xf32, #tpu.memory_space<vmem>>) offsets(%dma_start3A_121 : memref<128xi32, #tpu.memory_space<vmem>>) semaphore(%arg7 : memref<!tpu.dma_semaphore, #tpu.memory_space<semaphore_mem>>)
      %mul3A_125 = arith.constant 13 : i32
      %mul3A_126 = arith.muli %scan3A_8, %mul3A_125 : i32
      %add3A_127 = arith.constant 9 : i32
      %add3A_128 = arith.addi %mul3A_126, %add3A_127 : i32
      %dma_start3A_129 = arith.constant 1152 : i32
      %dma_start3A_130 = arith.constant 0 : i32
      %dma_start3A_131 = tpu.memref_slice %arg6[%dma_start3A_129, %dma_start3A_130] : memref<1664x32xf32, #tpu.memory_space<vmem>> -> memref<128x32xf32, #tpu.memory_space<vmem>>
      %dma_start3A_132 = arith.constant 0 : i32
      %dma_start3A_133 = tpu.memref_slice %arg5[%add3A_128, %dma_start3A_132] : memref<104x128xi32, #tpu.memory_space<vmem>> -> memref<1x128xi32, #tpu.memory_space<vmem>>
      %dma_start3A_134 = tpu.memref_squeeze %dma_start3A_133 : memref<1x128xi32, #tpu.memory_space<vmem>> -> memref<128xi32, #tpu.memory_space<vmem>>
      %dma_start3A_135 = arith.constant 0 : i32
      %dma_start3A_136 = arith.constant 0 : i32
      %dma_start3A_137 = tpu.memref_slice %arg2[%dma_start3A_135, %dma_start3A_136] : memref<2600000x32xf32, #tpu.memory_space<hbm>> -> memref<2600000x32xf32, #tpu.memory_space<hbm>>
      tpu.enqueue_indirect_dma source(%dma_start3A_137 : memref<2600000x32xf32, #tpu.memory_space<hbm>>) target(%dma_start3A_131 : memref<128x32xf32, #tpu.memory_space<vmem>>) offsets(%dma_start3A_134 : memref<128xi32, #tpu.memory_space<vmem>>) semaphore(%arg7 : memref<!tpu.dma_semaphore, #tpu.memory_space<semaphore_mem>>)
      %mul3A_138 = arith.constant 13 : i32
      %mul3A_139 = arith.muli %scan3A_8, %mul3A_138 : i32
      %add3A_140 = arith.constant 10 : i32
      %add3A_141 = arith.addi %mul3A_139, %add3A_140 : i32
      %dma_start3A_142 = arith.constant 1280 : i32
      %dma_start3A_143 = arith.constant 0 : i32
      %dma_start3A_144 = tpu.memref_slice %arg6[%dma_start3A_142, %dma_start3A_143] : memref<1664x32xf32, #tpu.memory_space<vmem>> -> memref<128x32xf32, #tpu.memory_space<vmem>>
      %dma_start3A_145 = arith.constant 0 : i32
      %dma_start3A_146 = tpu.memref_slice %arg5[%add3A_141, %dma_start3A_145] : memref<104x128xi32, #tpu.memory_space<vmem>> -> memref<1x128xi32, #tpu.memory_space<vmem>>
      %dma_start3A_147 = tpu.memref_squeeze %dma_start3A_146 : memref<1x128xi32, #tpu.memory_space<vmem>> -> memref<128xi32, #tpu.memory_space<vmem>>
      %dma_start3A_148 = arith.constant 0 : i32
      %dma_start3A_149 = arith.constant 0 : i32
      %dma_start3A_150 = tpu.memref_slice %arg2[%dma_start3A_148, %dma_start3A_149] : memref<2600000x32xf32, #tpu.memory_space<hbm>> -> memref<2600000x32xf32, #tpu.memory_space<hbm>>
      tpu.enqueue_indirect_dma source(%dma_start3A_150 : memref<2600000x32xf32, #tpu.memory_space<hbm>>) target(%dma_start3A_144 : memref<128x32xf32, #tpu.memory_space<vmem>>) offsets(%dma_start3A_147 : memref<128xi32, #tpu.memory_space<vmem>>) semaphore(%arg7 : memref<!tpu.dma_semaphore, #tpu.memory_space<semaphore_mem>>)
      %mul3A_151 = arith.constant 13 : i32
      %mul3A_152 = arith.muli %scan3A_8, %mul3A_151 : i32
      %add3A_153 = arith.constant 11 : i32
      %add3A_154 = arith.addi %mul3A_152, %add3A_153 : i32
      %dma_start3A_155 = arith.constant 1408 : i32
      %dma_start3A_156 = arith.constant 0 : i32
      %dma_start3A_157 = tpu.memref_slice %arg6[%dma_start3A_155, %dma_start3A_156] : memref<1664x32xf32, #tpu.memory_space<vmem>> -> memref<128x32xf32, #tpu.memory_space<vmem>>
      %dma_start3A_158 = arith.constant 0 : i32
      %dma_start3A_159 = tpu.memref_slice %arg5[%add3A_154, %dma_start3A_158] : memref<104x128xi32, #tpu.memory_space<vmem>> -> memref<1x128xi32, #tpu.memory_space<vmem>>
      %dma_start3A_160 = tpu.memref_squeeze %dma_start3A_159 : memref<1x128xi32, #tpu.memory_space<vmem>> -> memref<128xi32, #tpu.memory_space<vmem>>
      %dma_start3A_161 = arith.constant 0 : i32
      %dma_start3A_162 = arith.constant 0 : i32
      %dma_start3A_163 = tpu.memref_slice %arg2[%dma_start3A_161, %dma_start3A_162] : memref<2600000x32xf32, #tpu.memory_space<hbm>> -> memref<2600000x32xf32, #tpu.memory_space<hbm>>
      tpu.enqueue_indirect_dma source(%dma_start3A_163 : memref<2600000x32xf32, #tpu.memory_space<hbm>>) target(%dma_start3A_157 : memref<128x32xf32, #tpu.memory_space<vmem>>) offsets(%dma_start3A_160 : memref<128xi32, #tpu.memory_space<vmem>>) semaphore(%arg7 : memref<!tpu.dma_semaphore, #tpu.memory_space<semaphore_mem>>)
      %mul3A_164 = arith.constant 13 : i32
      %mul3A_165 = arith.muli %scan3A_8, %mul3A_164 : i32
      %add3A_166 = arith.constant 12 : i32
      %add3A_167 = arith.addi %mul3A_165, %add3A_166 : i32
      %dma_start3A_168 = arith.constant 1536 : i32
      %dma_start3A_169 = arith.constant 0 : i32
      %dma_start3A_170 = tpu.memref_slice %arg6[%dma_start3A_168, %dma_start3A_169] : memref<1664x32xf32, #tpu.memory_space<vmem>> -> memref<128x32xf32, #tpu.memory_space<vmem>>
      %dma_start3A_171 = arith.constant 0 : i32
      %dma_start3A_172 = tpu.memref_slice %arg5[%add3A_167, %dma_start3A_171] : memref<104x128xi32, #tpu.memory_space<vmem>> -> memref<1x128xi32, #tpu.memory_space<vmem>>
      %dma_start3A_173 = tpu.memref_squeeze %dma_start3A_172 : memref<1x128xi32, #tpu.memory_space<vmem>> -> memref<128xi32, #tpu.memory_space<vmem>>
      %dma_start3A_174 = arith.constant 0 : i32
      %dma_start3A_175 = arith.constant 0 : i32
      %dma_start3A_176 = tpu.memref_slice %arg2[%dma_start3A_174, %dma_start3A_175] : memref<2600000x32xf32, #tpu.memory_space<hbm>> -> memref<2600000x32xf32, #tpu.memory_space<hbm>>
      tpu.enqueue_indirect_dma source(%dma_start3A_176 : memref<2600000x32xf32, #tpu.memory_space<hbm>>) target(%dma_start3A_170 : memref<128x32xf32, #tpu.memory_space<vmem>>) offsets(%dma_start3A_173 : memref<128xi32, #tpu.memory_space<vmem>>) semaphore(%arg7 : memref<!tpu.dma_semaphore, #tpu.memory_space<semaphore_mem>>)
      %dma_wait3A = arith.constant 0 : i32
      %dma_wait3A_177 = arith.constant 0 : i32
      %dma_wait3A_178 = tpu.memref_slice %arg6[%dma_wait3A, %dma_wait3A_177] : memref<1664x32xf32, #tpu.memory_space<vmem>> -> memref<128x32xf32, #tpu.memory_space<vmem>>
      %dma_wait3A_179 = arith.constant 0 : i32
      %dma_wait3A_180 = tpu.memref_slice %arg5[%add3A_12, %dma_wait3A_179] : memref<104x128xi32, #tpu.memory_space<vmem>> -> memref<1x128xi32, #tpu.memory_space<vmem>>
      %dma_wait3A_181 = tpu.memref_squeeze %dma_wait3A_180 : memref<1x128xi32, #tpu.memory_space<vmem>> -> memref<128xi32, #tpu.memory_space<vmem>>
      %dma_wait3A_182 = arith.constant 0 : i32
      %dma_wait3A_183 = arith.constant 0 : i32
      %dma_wait3A_184 = tpu.memref_slice %arg2[%dma_wait3A_182, %dma_wait3A_183] : memref<2600000x32xf32, #tpu.memory_space<hbm>> -> memref<2600000x32xf32, #tpu.memory_space<hbm>>
      tpu.wait_indirect_dma semaphore(%arg7 : memref<!tpu.dma_semaphore, #tpu.memory_space<semaphore_mem>>) src(%dma_wait3A_184 : memref<2600000x32xf32, #tpu.memory_space<hbm>>) dst(%dma_wait3A_178 : memref<128x32xf32, #tpu.memory_space<vmem>>)
      %dma_wait3A_185 = arith.constant 128 : i32
      %dma_wait3A_186 = arith.constant 0 : i32
      %dma_wait3A_187 = tpu.memref_slice %arg6[%dma_wait3A_185, %dma_wait3A_186] : memref<1664x32xf32, #tpu.memory_space<vmem>> -> memref<128x32xf32, #tpu.memory_space<vmem>>
      %dma_wait3A_188 = arith.constant 0 : i32
      %dma_wait3A_189 = tpu.memref_slice %arg5[%add3A_24, %dma_wait3A_188] : memref<104x128xi32, #tpu.memory_space<vmem>> -> memref<1x128xi32, #tpu.memory_space<vmem>>
      %dma_wait3A_190 = tpu.memref_squeeze %dma_wait3A_189 : memref<1x128xi32, #tpu.memory_space<vmem>> -> memref<128xi32, #tpu.memory_space<vmem>>
      %dma_wait3A_191 = arith.constant 0 : i32
      %dma_wait3A_192 = arith.constant 0 : i32
      %dma_wait3A_193 = tpu.memref_slice %arg2[%dma_wait3A_191, %dma_wait3A_192] : memref<2600000x32xf32, #tpu.memory_space<hbm>> -> memref<2600000x32xf32, #tpu.memory_space<hbm>>
      tpu.wait_indirect_dma semaphore(%arg7 : memref<!tpu.dma_semaphore, #tpu.memory_space<semaphore_mem>>) src(%dma_wait3A_193 : memref<2600000x32xf32, #tpu.memory_space<hbm>>) dst(%dma_wait3A_187 : memref<128x32xf32, #tpu.memory_space<vmem>>)
      %dma_wait3A_194 = arith.constant 256 : i32
      %dma_wait3A_195 = arith.constant 0 : i32
      %dma_wait3A_196 = tpu.memref_slice %arg6[%dma_wait3A_194, %dma_wait3A_195] : memref<1664x32xf32, #tpu.memory_space<vmem>> -> memref<128x32xf32, #tpu.memory_space<vmem>>
      %dma_wait3A_197 = arith.constant 0 : i32
      %dma_wait3A_198 = tpu.memref_slice %arg5[%add3A_37, %dma_wait3A_197] : memref<104x128xi32, #tpu.memory_space<vmem>> -> memref<1x128xi32, #tpu.memory_space<vmem>>
      %dma_wait3A_199 = tpu.memref_squeeze %dma_wait3A_198 : memref<1x128xi32, #tpu.memory_space<vmem>> -> memref<128xi32, #tpu.memory_space<vmem>>
      %dma_wait3A_200 = arith.constant 0 : i32
      %dma_wait3A_201 = arith.constant 0 : i32
      %dma_wait3A_202 = tpu.memref_slice %arg2[%dma_wait3A_200, %dma_wait3A_201] : memref<2600000x32xf32, #tpu.memory_space<hbm>> -> memref<2600000x32xf32, #tpu.memory_space<hbm>>
      tpu.wait_indirect_dma semaphore(%arg7 : memref<!tpu.dma_semaphore, #tpu.memory_space<semaphore_mem>>) src(%dma_wait3A_202 : memref<2600000x32xf32, #tpu.memory_space<hbm>>) dst(%dma_wait3A_196 : memref<128x32xf32, #tpu.memory_space<vmem>>)
      %dma_wait3A_203 = arith.constant 384 : i32
      %dma_wait3A_204 = arith.constant 0 : i32
      %dma_wait3A_205 = tpu.memref_slice %arg6[%dma_wait3A_203, %dma_wait3A_204] : memref<1664x32xf32, #tpu.memory_space<vmem>> -> memref<128x32xf32, #tpu.memory_space<vmem>>
      %dma_wait3A_206 = arith.constant 0 : i32
      %dma_wait3A_207 = tpu.memref_slice %arg5[%add3A_50, %dma_wait3A_206] : memref<104x128xi32, #tpu.memory_space<vmem>> -> memref<1x128xi32, #tpu.memory_space<vmem>>
      %dma_wait3A_208 = tpu.memref_squeeze %dma_wait3A_207 : memref<1x128xi32, #tpu.memory_space<vmem>> -> memref<128xi32, #tpu.memory_space<vmem>>
      %dma_wait3A_209 = arith.constant 0 : i32
      %dma_wait3A_210 = arith.constant 0 : i32
      %dma_wait3A_211 = tpu.memref_slice %arg2[%dma_wait3A_209, %dma_wait3A_210] : memref<2600000x32xf32, #tpu.memory_space<hbm>> -> memref<2600000x32xf32, #tpu.memory_space<hbm>>
      tpu.wait_indirect_dma semaphore(%arg7 : memref<!tpu.dma_semaphore, #tpu.memory_space<semaphore_mem>>) src(%dma_wait3A_211 : memref<2600000x32xf32, #tpu.memory_space<hbm>>) dst(%dma_wait3A_205 : memref<128x32xf32, #tpu.memory_space<vmem>>)
      %dma_wait3A_212 = arith.constant 512 : i32
      %dma_wait3A_213 = arith.constant 0 : i32
      %dma_wait3A_214 = tpu.memref_slice %arg6[%dma_wait3A_212, %dma_wait3A_213] : memref<1664x32xf32, #tpu.memory_space<vmem>> -> memref<128x32xf32, #tpu.memory_space<vmem>>
      %dma_wait3A_215 = arith.constant 0 : i32
      %dma_wait3A_216 = tpu.memref_slice %arg5[%add3A_63, %dma_wait3A_215] : memref<104x128xi32, #tpu.memory_space<vmem>> -> memref<1x128xi32, #tpu.memory_space<vmem>>
      %dma_wait3A_217 = tpu.memref_squeeze %dma_wait3A_216 : memref<1x128xi32, #tpu.memory_space<vmem>> -> memref<128xi32, #tpu.memory_space<vmem>>
      %dma_wait3A_218 = arith.constant 0 : i32
      %dma_wait3A_219 = arith.constant 0 : i32
      %dma_wait3A_220 = tpu.memref_slice %arg2[%dma_wait3A_218, %dma_wait3A_219] : memref<2600000x32xf32, #tpu.memory_space<hbm>> -> memref<2600000x32xf32, #tpu.memory_space<hbm>>
      tpu.wait_indirect_dma semaphore(%arg7 : memref<!tpu.dma_semaphore, #tpu.memory_space<semaphore_mem>>) src(%dma_wait3A_220 : memref<2600000x32xf32, #tpu.memory_space<hbm>>) dst(%dma_wait3A_214 : memref<128x32xf32, #tpu.memory_space<vmem>>)
      %dma_wait3A_221 = arith.constant 640 : i32
      %dma_wait3A_222 = arith.constant 0 : i32
      %dma_wait3A_223 = tpu.memref_slice %arg6[%dma_wait3A_221, %dma_wait3A_222] : memref<1664x32xf32, #tpu.memory_space<vmem>> -> memref<128x32xf32, #tpu.memory_space<vmem>>
      %dma_wait3A_224 = arith.constant 0 : i32
      %dma_wait3A_225 = tpu.memref_slice %arg5[%add3A_76, %dma_wait3A_224] : memref<104x128xi32, #tpu.memory_space<vmem>> -> memref<1x128xi32, #tpu.memory_space<vmem>>
      %dma_wait3A_226 = tpu.memref_squeeze %dma_wait3A_225 : memref<1x128xi32, #tpu.memory_space<vmem>> -> memref<128xi32, #tpu.memory_space<vmem>>
      %dma_wait3A_227 = arith.constant 0 : i32
      %dma_wait3A_228 = arith.constant 0 : i32
      %dma_wait3A_229 = tpu.memref_slice %arg2[%dma_wait3A_227, %dma_wait3A_228] : memref<2600000x32xf32, #tpu.memory_space<hbm>> -> memref<2600000x32xf32, #tpu.memory_space<hbm>>
      tpu.wait_indirect_dma semaphore(%arg7 : memref<!tpu.dma_semaphore, #tpu.memory_space<semaphore_mem>>) src(%dma_wait3A_229 : memref<2600000x32xf32, #tpu.memory_space<hbm>>) dst(%dma_wait3A_223 : memref<128x32xf32, #tpu.memory_space<vmem>>)
      %dma_wait3A_230 = arith.constant 768 : i32
      %dma_wait3A_231 = arith.constant 0 : i32
      %dma_wait3A_232 = tpu.memref_slice %arg6[%dma_wait3A_230, %dma_wait3A_231] : memref<1664x32xf32, #tpu.memory_space<vmem>> -> memref<128x32xf32, #tpu.memory_space<vmem>>
      %dma_wait3A_233 = arith.constant 0 : i32
      %dma_wait3A_234 = tpu.memref_slice %arg5[%add3A_89, %dma_wait3A_233] : memref<104x128xi32, #tpu.memory_space<vmem>> -> memref<1x128xi32, #tpu.memory_space<vmem>>
      %dma_wait3A_235 = tpu.memref_squeeze %dma_wait3A_234 : memref<1x128xi32, #tpu.memory_space<vmem>> -> memref<128xi32, #tpu.memory_space<vmem>>
      %dma_wait3A_236 = arith.constant 0 : i32
      %dma_wait3A_237 = arith.constant 0 : i32
      %dma_wait3A_238 = tpu.memref_slice %arg2[%dma_wait3A_236, %dma_wait3A_237] : memref<2600000x32xf32, #tpu.memory_space<hbm>> -> memref<2600000x32xf32, #tpu.memory_space<hbm>>
      tpu.wait_indirect_dma semaphore(%arg7 : memref<!tpu.dma_semaphore, #tpu.memory_space<semaphore_mem>>) src(%dma_wait3A_238 : memref<2600000x32xf32, #tpu.memory_space<hbm>>) dst(%dma_wait3A_232 : memref<128x32xf32, #tpu.memory_space<vmem>>)
      %dma_wait3A_239 = arith.constant 896 : i32
      %dma_wait3A_240 = arith.constant 0 : i32
      %dma_wait3A_241 = tpu.memref_slice %arg6[%dma_wait3A_239, %dma_wait3A_240] : memref<1664x32xf32, #tpu.memory_space<vmem>> -> memref<128x32xf32, #tpu.memory_space<vmem>>
      %dma_wait3A_242 = arith.constant 0 : i32
      %dma_wait3A_243 = tpu.memref_slice %arg5[%add3A_102, %dma_wait3A_242] : memref<104x128xi32, #tpu.memory_space<vmem>> -> memref<1x128xi32, #tpu.memory_space<vmem>>
      %dma_wait3A_244 = tpu.memref_squeeze %dma_wait3A_243 : memref<1x128xi32, #tpu.memory_space<vmem>> -> memref<128xi32, #tpu.memory_space<vmem>>
      %dma_wait3A_245 = arith.constant 0 : i32
      %dma_wait3A_246 = arith.constant 0 : i32
      %dma_wait3A_247 = tpu.memref_slice %arg2[%dma_wait3A_245, %dma_wait3A_246] : memref<2600000x32xf32, #tpu.memory_space<hbm>> -> memref<2600000x32xf32, #tpu.memory_space<hbm>>
      tpu.wait_indirect_dma semaphore(%arg7 : memref<!tpu.dma_semaphore, #tpu.memory_space<semaphore_mem>>) src(%dma_wait3A_247 : memref<2600000x32xf32, #tpu.memory_space<hbm>>) dst(%dma_wait3A_241 : memref<128x32xf32, #tpu.memory_space<vmem>>)
      %dma_wait3A_248 = arith.constant 1024 : i32
      %dma_wait3A_249 = arith.constant 0 : i32
      %dma_wait3A_250 = tpu.memref_slice %arg6[%dma_wait3A_248, %dma_wait3A_249] : memref<1664x32xf32, #tpu.memory_space<vmem>> -> memref<128x32xf32, #tpu.memory_space<vmem>>
      %dma_wait3A_251 = arith.constant 0 : i32
      %dma_wait3A_252 = tpu.memref_slice %arg5[%add3A_115, %dma_wait3A_251] : memref<104x128xi32, #tpu.memory_space<vmem>> -> memref<1x128xi32, #tpu.memory_space<vmem>>
      %dma_wait3A_253 = tpu.memref_squeeze %dma_wait3A_252 : memref<1x128xi32, #tpu.memory_space<vmem>> -> memref<128xi32, #tpu.memory_space<vmem>>
      %dma_wait3A_254 = arith.constant 0 : i32
      %dma_wait3A_255 = arith.constant 0 : i32
      %dma_wait3A_256 = tpu.memref_slice %arg2[%dma_wait3A_254, %dma_wait3A_255] : memref<2600000x32xf32, #tpu.memory_space<hbm>> -> memref<2600000x32xf32, #tpu.memory_space<hbm>>
      tpu.wait_indirect_dma semaphore(%arg7 : memref<!tpu.dma_semaphore, #tpu.memory_space<semaphore_mem>>) src(%dma_wait3A_256 : memref<2600000x32xf32, #tpu.memory_space<hbm>>) dst(%dma_wait3A_250 : memref<128x32xf32, #tpu.memory_space<vmem>>)
      %dma_wait3A_257 = arith.constant 1152 : i32
      %dma_wait3A_258 = arith.constant 0 : i32
      %dma_wait3A_259 = tpu.memref_slice %arg6[%dma_wait3A_257, %dma_wait3A_258] : memref<1664x32xf32, #tpu.memory_space<vmem>> -> memref<128x32xf32, #tpu.memory_space<vmem>>
      %dma_wait3A_260 = arith.constant 0 : i32
      %dma_wait3A_261 = tpu.memref_slice %arg5[%add3A_128, %dma_wait3A_260] : memref<104x128xi32, #tpu.memory_space<vmem>> -> memref<1x128xi32, #tpu.memory_space<vmem>>
      %dma_wait3A_262 = tpu.memref_squeeze %dma_wait3A_261 : memref<1x128xi32, #tpu.memory_space<vmem>> -> memref<128xi32, #tpu.memory_space<vmem>>
      %dma_wait3A_263 = arith.constant 0 : i32
      %dma_wait3A_264 = arith.constant 0 : i32
      %dma_wait3A_265 = tpu.memref_slice %arg2[%dma_wait3A_263, %dma_wait3A_264] : memref<2600000x32xf32, #tpu.memory_space<hbm>> -> memref<2600000x32xf32, #tpu.memory_space<hbm>>
      tpu.wait_indirect_dma semaphore(%arg7 : memref<!tpu.dma_semaphore, #tpu.memory_space<semaphore_mem>>) src(%dma_wait3A_265 : memref<2600000x32xf32, #tpu.memory_space<hbm>>) dst(%dma_wait3A_259 : memref<128x32xf32, #tpu.memory_space<vmem>>)
      %dma_wait3A_266 = arith.constant 1280 : i32
      %dma_wait3A_267 = arith.constant 0 : i32
      %dma_wait3A_268 = tpu.memref_slice %arg6[%dma_wait3A_266, %dma_wait3A_267] : memref<1664x32xf32, #tpu.memory_space<vmem>> -> memref<128x32xf32, #tpu.memory_space<vmem>>
      %dma_wait3A_269 = arith.constant 0 : i32
      %dma_wait3A_270 = tpu.memref_slice %arg5[%add3A_141, %dma_wait3A_269] : memref<104x128xi32, #tpu.memory_space<vmem>> -> memref<1x128xi32, #tpu.memory_space<vmem>>
      %dma_wait3A_271 = tpu.memref_squeeze %dma_wait3A_270 : memref<1x128xi32, #tpu.memory_space<vmem>> -> memref<128xi32, #tpu.memory_space<vmem>>
      %dma_wait3A_272 = arith.constant 0 : i32
      %dma_wait3A_273 = arith.constant 0 : i32
      %dma_wait3A_274 = tpu.memref_slice %arg2[%dma_wait3A_272, %dma_wait3A_273] : memref<2600000x32xf32, #tpu.memory_space<hbm>> -> memref<2600000x32xf32, #tpu.memory_space<hbm>>
      tpu.wait_indirect_dma semaphore(%arg7 : memref<!tpu.dma_semaphore, #tpu.memory_space<semaphore_mem>>) src(%dma_wait3A_274 : memref<2600000x32xf32, #tpu.memory_space<hbm>>) dst(%dma_wait3A_268 : memref<128x32xf32, #tpu.memory_space<vmem>>)
      %dma_wait3A_275 = arith.constant 1408 : i32
      %dma_wait3A_276 = arith.constant 0 : i32
      %dma_wait3A_277 = tpu.memref_slice %arg6[%dma_wait3A_275, %dma_wait3A_276] : memref<1664x32xf32, #tpu.memory_space<vmem>> -> memref<128x32xf32, #tpu.memory_space<vmem>>
      %dma_wait3A_278 = arith.constant 0 : i32
      %dma_wait3A_279 = tpu.memref_slice %arg5[%add3A_154, %dma_wait3A_278] : memref<104x128xi32, #tpu.memory_space<vmem>> -> memref<1x128xi32, #tpu.memory_space<vmem>>
      %dma_wait3A_280 = tpu.memref_squeeze %dma_wait3A_279 : memref<1x128xi32, #tpu.memory_space<vmem>> -> memref<128xi32, #tpu.memory_space<vmem>>
      %dma_wait3A_281 = arith.constant 0 : i32
      %dma_wait3A_282 = arith.constant 0 : i32
      %dma_wait3A_283 = tpu.memref_slice %arg2[%dma_wait3A_281, %dma_wait3A_282] : memref<2600000x32xf32, #tpu.memory_space<hbm>> -> memref<2600000x32xf32, #tpu.memory_space<hbm>>
      tpu.wait_indirect_dma semaphore(%arg7 : memref<!tpu.dma_semaphore, #tpu.memory_space<semaphore_mem>>) src(%dma_wait3A_283 : memref<2600000x32xf32, #tpu.memory_space<hbm>>) dst(%dma_wait3A_277 : memref<128x32xf32, #tpu.memory_space<vmem>>)
      %dma_wait3A_284 = arith.constant 1536 : i32
      %dma_wait3A_285 = arith.constant 0 : i32
      %dma_wait3A_286 = tpu.memref_slice %arg6[%dma_wait3A_284, %dma_wait3A_285] : memref<1664x32xf32, #tpu.memory_space<vmem>> -> memref<128x32xf32, #tpu.memory_space<vmem>>
      %dma_wait3A_287 = arith.constant 0 : i32
      %dma_wait3A_288 = tpu.memref_slice %arg5[%add3A_167, %dma_wait3A_287] : memref<104x128xi32, #tpu.memory_space<vmem>> -> memref<1x128xi32, #tpu.memory_space<vmem>>
      %dma_wait3A_289 = tpu.memref_squeeze %dma_wait3A_288 : memref<1x128xi32, #tpu.memory_space<vmem>> -> memref<128xi32, #tpu.memory_space<vmem>>
      %dma_wait3A_290 = arith.constant 0 : i32
      %dma_wait3A_291 = arith.constant 0 : i32
      %dma_wait3A_292 = tpu.memref_slice %arg2[%dma_wait3A_290, %dma_wait3A_291] : memref<2600000x32xf32, #tpu.memory_space<hbm>> -> memref<2600000x32xf32, #tpu.memory_space<hbm>>
      tpu.wait_indirect_dma semaphore(%arg7 : memref<!tpu.dma_semaphore, #tpu.memory_space<semaphore_mem>>) src(%dma_wait3A_292 : memref<2600000x32xf32, #tpu.memory_space<hbm>>) dst(%dma_wait3A_286 : memref<128x32xf32, #tpu.memory_space<vmem>>)
      %mul3A_293 = arith.constant 1664 : i32
      %mul3A_294 = arith.muli %scan3A_8, %mul3A_293 : i32
      %add3A_295 = arith.addi %mul3A_2, %mul3A_294 : i32
      "tpu.region"() ({
        %run_scoped3A = tpu.sem_alloc : memref<!tpu.dma_semaphore, #tpu.memory_space<semaphore_mem>>
        %dma_start3A_296 = arith.constant 0 : i32
        %dma_start3A_297 = tpu.memref_slice %arg4[%add3A_295, %dma_start3A_296] : memref<425984x32xf32, #tpu.memory_space<hbm>> -> memref<1664x32xf32, #tpu.memory_space<hbm>>
        %dma_start3A_298 = arith.constant 0 : i32
        %dma_start3A_299 = tpu.memref_slice %arg4[%add3A_295, %dma_start3A_298] : memref<425984x32xf32, #tpu.memory_space<hbm>> -> memref<1664x32xf32, #tpu.memory_space<hbm>>
        tpu.enqueue_dma source(%arg6 : memref<1664x32xf32, #tpu.memory_space<vmem>>) target(%dma_start3A_299 : memref<1664x32xf32, #tpu.memory_space<hbm>>) target_semaphore(%run_scoped3A : memref<!tpu.dma_semaphore, #tpu.memory_space<semaphore_mem>>)
        %dma_wait3A_300 = arith.constant 0 : i32
        %dma_wait3A_301 = tpu.memref_slice %arg4[%add3A_295, %dma_wait3A_300] : memref<425984x32xf32, #tpu.memory_space<hbm>> -> memref<1664x32xf32, #tpu.memory_space<hbm>>
        %dma_wait3A_302 = arith.constant 0 : i32
        %dma_wait3A_303 = tpu.memref_slice %arg4[%add3A_295, %dma_wait3A_302] : memref<425984x32xf32, #tpu.memory_space<hbm>> -> memref<1664x32xf32, #tpu.memory_space<hbm>>
        tpu.wait_dma2 semaphore(%run_scoped3A : memref<!tpu.dma_semaphore, #tpu.memory_space<semaphore_mem>>) src(%arg6 : memref<1664x32xf32, #tpu.memory_space<vmem>>) dst(%dma_wait3A_303 : memref<1664x32xf32, #tpu.memory_space<hbm>>)
        tpu.yield
      }) : () -> ()
    }
    %scan3A_7 = arith.constant 8 : i32
    return
  }
}

</mosaic_0001>

<sc_bundles>
// kernel: kernel.3.cloned.1.call-start
scs
__scs_entry_jumppad:
0x0: {  	(pc) =	sbr.rel $0x88, $3  }
0x1: {  	(tag) =	ssettag $0x0;
	lr =	simm.s32 $0x1  }
0x2: {  	[smem:$0x3F9F] =	sst lr;
	_ =	strace $0xD0000000  }
0x3: {  	_ = 	snop  }
0x4: {  	_ = 	snop  }
0x5: {  	_ = 	snop  }
0x6: {  	_ = 	snop  }
0x7: {  	_ = 	snop  }
__scs_overlays_trampoline_lowered:
0x8: {  	[smem:$0x3FAE] =	sst s0  }
0x9: {  	[smem:$0x3FAF] =	sst s1  }
0xa: {  	[smem:$0x3FB0] =	sst s2  }
0xb: {  	[smem:$0x3FB1] =	sst s3  }
0xc: {  	[smem:$0x3FB2] =	sst s4  }
0xd: {  	[smem:$0x3FB3] =	sst s5  }
0xe: {  	[smem:$0x3FB4] =	sst s6  }
0xf: {  	[smem:$0x3FB5] =	sst s7  }
0x10: {  	[smem:$0x3FB6] =	sst s8  }
0x11: {  	[smem:$0x3FB7] =	sst s9;
	s0 =	simm.s32 @!p0 $0x0  }
0x12: {  	s1 =	sld [smem:$0x3F9D];
	s0 =	simm.s32 @p0 $0x1  }
0x13: {  	[smem:$0x3FB8] =	sst s0;
	s0 =	simm.s32 @!p1 $0x0  }
0x14: {  	s2 =	sld [smem:$0x3F9C];
	s0 =	simm.s32 @p1 $0x1  }
0x15: {  	[smem:$0x3FB9] =	sst s0;
	s0 =	simm.s32 @!p2 $0x0  }
0x16: {  	s3 =	sld [smem:$0x3FDB];
	s0 =	simm.s32 @p2 $0x1  }
0x17: {  	s4 =	simm.s32 $0x1BF5;
	[smem:$0x3FBB] =	sst s0  }
0x18: {  	s0 =	sld [smem:$0x3F9E];
	_ =	swait.ge [sflag:s4], $0x0  }
0x19: {  	s7 =	sld [smem:$0x3F9F]  }
0x1a: {  	s8 =	sadd.s32 $0xFFFFE003, lr  }
0x1b: {  	s9 =	sadd.s32 $0xFFFFFEF7, lr;
	s5 =	simm.s32 $0xFFFFFFFF;
	p2 =	slt.u32 s8, $0xFFFFF086  }
0x1c: {  	p1 =	slt.u32 s9, $0xF7A;
	s5 =	simm.s32 @!p2 $0x0  }
0x1d: {  	s5 =	simm.s32 @p1 $0x1;
	p0 =	seq.s32 s7, s2  }
0x1e: {  	s7 =	smul.u32 @!p0 $0xF7A, s2;
	p2 =	seq.s32 @!p0 s5, $0x0  }
0x1f: {  	s9 =	smul.u32 $0xF7A, s1;
	s8 =	simm.s32 @!p0 $0x1BF5;
	p2 =	por !p2, p0  }
0x20: {  	[sflag:s8] =	ssyncset.s32 @!p0 $0xFFFFF086;
	s6 =	sadd.s32 @!p0 s3, s7;
	s7 =	simm.s32 @!p0 $0x108  }
0x21: {  	s3 =	sadd.s32 s3, s9;
	s6 =	sadd.s32 @!p0 $0x88, s6;
	s7 =	simm.s32 @p2 $0x1082  }
0x22: {  	[simem:s7], [sflag:s8] =	dma.local @!p0 [hbm:s6], $0xF7A  }
0x23: {  	s9 =	sor.u32 $0xD0000000, s2;
	s6 =	simm.s32 $0x108;
	_ =	swait.ge @!p0 [sflag:s8], $0x0  }
0x24: {  	s3 =	sadd.s32 $0x88, s3;
	s6 =	simm.s32 @!p1 $0x1082;
	[sflag:s4] =	ssyncset.s32 $0xFFFFF086  }
0x25: {  	[simem:s6], [sflag:s4] =	dma.local [hbm:s3], $0xF7A  }
0x26: {  	[smem:$0x3F9F] =	sst s1;
	(tag) =	ssettag s2;
	_ =	strace s9  }
0x27: {  	s1 =	sld [smem:$0x3FAF]  }
0x28: {  	s2 =	sld [smem:$0x3FB0]  }
0x29: {  	s4 =	sld [smem:$0x3FB2]  }
0x2a: {  	p0 =	seq.s32 s5, $0x0;
	s5 =	sld [smem:$0x3FB3]  }
0x2b: {  	s6 =	sld [smem:$0x3FB4]  }
0x2c: {  	s7 =	sld [smem:$0x3FB5]  }
0x2d: {  	s3 =	simm.s32 $0x108;
	s8 =	sld [smem:$0x3FB6]  }
0x2e: {  	s3 =	simm.s32 @!p0 $0x1082;
	s9 =	sld [smem:$0x3FB7]  }
0x2f: {  	lr =	sadd.s32 s0, s3;
	s0 =	sld [smem:$0x3FAE]  }
0x30: {  	s3 =	sld [smem:$0x3FB1]  }
0x31: {  	[smem:$0x3FBA] =	sst s10  }
0x32: {  	s10 =	sld [smem:$0x3FB8];
	_ =	sdelay $0x3  }
0x33: {  	p0 =	seq.s32 s10, $0x1;
	s10 =	sld [smem:$0x3FBA];
	_ =	sdelay $0x3  }
0x34: {  	[smem:$0x3FBA] =	sst s10  }
0x35: {  	s10 =	sld [smem:$0x3FB9];
	_ =	sdelay $0x3  }
0x36: {  	p1 =	seq.s32 s10, $0x1;
	s10 =	sld [smem:$0x3FBA];
	_ =	sdelay $0x3  }
0x37: {  	[smem:$0x3FBA] =	sst s10  }
0x38: {  	s10 =	sld [smem:$0x3FBB]  }
0x39: {  	_ = 	snop;
	(pc) =	sbr.ind lr, $3  }
0x3a: {  	_ = 	snop  }
0x3b: {  	_ = 	snop  }
0x3c: {  	p2 =	seq.s32 s10, $0x1;
	s10 =	sld [smem:$0x3FBA]  }
0x3d: {  	_ =	shalt  }
0x3e: {  	_ =	shalt  }
0x3f: {  	_ =	shalt  }
0x40: {  	_ =	shalt  }
0x41: {  	_ =	shalt  }
0x42: {  	_ =	shalt  }
0x43: {  	_ =	shalt  }
0x44: {  	_ =	shalt  }
0x45: {  	_ =	shalt  }
0x46: {  	_ =	shalt  }
0x47: {  	_ =	shalt  }
0x48: {  	_ =	shalt  }
0x49: {  	_ =	shalt  }
0x4a: {  	_ =	shalt  }
0x4b: {  	_ =	shalt  }
0x4c: {  	_ =	shalt  }
0x4d: {  	_ =	shalt  }
0x4e: {  	_ =	shalt  }
0x4f: {  	_ =	shalt  }
0x50: {  	_ =	shalt  }
0x51: {  	_ =	shalt  }
0x52: {  	_ =	shalt  }
0x53: {  	_ =	shalt  }
0x54: {  	_ =	shalt  }
0x55: {  	_ =	shalt  }
0x56: {  	_ =	shalt  }
0x57: {  	_ =	shalt  }
0x58: {  	_ =	shalt  }
0x59: {  	_ =	shalt  }
0x5a: {  	_ =	shalt  }
0x5b: {  	_ =	shalt  }
0x5c: {  	_ =	shalt  }
0x5d: {  	_ =	shalt  }
0x5e: {  	_ =	shalt  }
0x5f: {  	_ =	shalt  }
0x60: {  	_ =	shalt  }
0x61: {  	_ =	shalt  }
0x62: {  	_ =	shalt  }
0x63: {  	_ =	shalt  }
0x64: {  	_ =	shalt  }
0x65: {  	_ =	shalt  }
0x66: {  	_ =	shalt  }
0x67: {  	_ =	shalt  }
0x68: {  	_ =	shalt  }
0x69: {  	_ =	shalt  }
0x6a: {  	_ =	shalt  }
0x6b: {  	_ =	shalt  }
0x6c: {  	_ =	shalt  }
0x6d: {  	_ =	shalt  }
0x6e: {  	_ =	shalt  }
0x6f: {  	_ =	shalt  }
0x70: {  	_ =	shalt  }
0x71: {  	_ =	shalt  }
0x72: {  	_ =	shalt  }
0x73: {  	_ =	shalt  }
0x74: {  	_ =	shalt  }
0x75: {  	_ =	shalt  }
0x76: {  	_ =	shalt  }
0x77: {  	_ =	shalt  }
0x78: {  	_ =	shalt  }
0x79: {  	_ =	shalt  }
0x7a: {  	_ =	shalt  }
0x7b: {  	_ =	shalt  }
0x7c: {  	_ =	shalt  }
0x7d: {  	_ =	shalt  }
0x7e: {  	_ =	shalt  }
0x7f: {  	_ =	shalt  }
0x80: {  	_ =	shalt  }
0x81: {  	_ =	shalt  }
0x82: {  	_ =	shalt  }
0x83: {  	_ =	shalt  }
0x84: {  	_ =	shalt  }
0x85: {  	_ =	shalt  }
0x86: {  	_ =	shalt  }
0x87: {  	_ =	shalt  }
.Lfunc_end0:
.L_simem_size_0:
called_computation.1_lowered:
.L_overlay_start_0:
0x88: {  	s2 =	sld [smem:$0x3FD9]  }
0x89: {  	s3 =	sld [smem:$0x3FFE];
	_ =	sdelay $0x1  }
0x8a: {  	s1 =	srdreg.scid  }
0x8b: {  	s0 =	sand.u32 $0x1, s1  }
0x8c: {  	s17 =	sshll.u32 s0, $0xA;
	s2 =	sadd.s32 s3, s2  }
0x8d: {  	s2 =	sadd.s32 s2, s17  }
0x8e: {  	[smem:$0x3FC6] =	sst s2  }
0x8f: {  	_ = 	snop  }
0x90: {  	s2 =	sld [smem:$0x3FD0];
	(tm) =	ssettm $0x1  }
0x91: {  	s18 =	sld [smem:$0x3FFB];
	_ =	sdelay $0x3  }
0x92: {  	_ =	strace s18  }
0x93: {  	s3 =	sld [smem:$0x3FFC];
	_ =	sdelay $0x3  }
0x94: {  	_ =	strace s3  }
0x95: {  	s3 =	sld [smem:$0x3FFD];
	_ =	sdelay $0x3  }
0x96: {  	_ =	strace s3  }
0x97: {  	_ =	strace $0x8FFFFFFF  }
0x98: {  	s19 =	sld [smem:$0x3FDB];
	_ =	sdelay $0x1  }
0x99: {  	s4 =	simm.s32 $_scs_section_size  }
0x9a: {  	s5 =	simm.s32 $_size__tile_overlayer_lowered;
	s6 =	simm.s32 $_tile_overlayer_lowered  }
0x9b: {  	s22 =	simm.s32 $0x1BFF;
	s21 =	sshll.u32 s6, $0x1;
	s3 =	sadd.s32 s4, s19  }
0x9c: {  	s7 =	simm.s32 $0x0;
	s20 =	sshll.u32 s5, $0x1;
	s5 =	sadd.s32 s21, s3  }
0x9d: {  	[timem:s7], [sflag:s22] =	dma.local [hbm:s5], s20  }
0x9e: {  	_ =	swait.ge [sflag:s22], s20  }
0x9f: {  	s4 =	ssub.s32 $0x0, s20;
	[sflag:s22] =	ssyncset.done $0x0  }
0xa0: {  	[sflag:s22] =	ssyncadd.s32 s4;
	_ =	sdelay $0x1  }
0xa1: {  	s23 =	simm.s32 $0x1B8B  }
0xa2: {  	_ =	swait.ge [sflag:s23], $0x1  }
0xa3: {  	[sflag:s23] =	ssyncset.done $0x0  }
0xa4: {  	s25 =	simm.s32 $0x1B8E;
	s24 =	sld [smem:$0x3FFE];
	[sflag:s23] =	ssyncadd.s32 $0xFFFFFFFF  }
0xa5: {  	s26 =	simm.s32 $execute0_lowered;
	[smem:$0x3FD2] =	sst s25  }
0xa6: {  	s5 =	sshll.u32 s26, $0x1;
	_ =	strace $0x80000046;
	[dreg:$0x1] =	wrdreg $0xFFFFFFFF  }
0xa7: {  	s28 =	simm.s32 $_size_execute0_lowered;
	s3 =	sadd.s32 s3, s5;
	[dreg:$0x0] =	wrdreg $0x0  }
0xa8: {  	s5 =	sshll.u32 s28, $0x1;
	[dreg:$0x2] =	wrdreg s3  }
0xa9: {  	[dreg:$0x3] =	wrdreg s5  }
0xaa: {  	[dreg:$0x4] =	wrdreg $0xC0  }
0xab: {  	_ =	task [dreg:s7], $0x5FFFF  }
0xac: {  	[dreg:$0x1] =	wrdreg $0xFFFFFFFF  }
0xad: {  	[dreg:$0x0] =	wrdreg $0x60  }
0xae: {  	[dreg:$0x2] =	wrdreg s24  }
0xaf: {  	[dreg:$0x3] =	wrdreg s2  }
0xb0: {  	[dreg:$0x4] =	wrdreg $0x9  }
0xb1: {  	_ =	task.clear_ibuf [dreg:s7], $0x5FFFF;
	_ =	strace $0x90000046  }
0xb2: {  	s29 =	simm.s32 $0x9;
	_ =	strace $0x80000048  }
0xb3: {  	_ =	swait.ge [sflag:s29], $0x1  }
0xb4: {  	[sflag:s29] =	ssyncadd.s32 $0xFFFFFFFF  }
0xb5: {  	_ =	strace $0x90000048  }
0xb6: {  	_ =	sfence  }
0xb7: {  	s30 =	sld [smem:$0x0];
	_ =	sdelay $0x2  }
0xb8: {  	s31 =	sshll.u32 s1, $0xD;
	s1 =	sshrl.u32 s1, $0x2  }
0xb9: {  	s3 =	sand.u32 $0x4000, s31;
	s1 =	sadd.s32 s1, s30  }
0xba: {  	s0 =	sor.u32 s3, s0;
	s1 =	sshll.u32 s1, $0x11  }
0xbb: {  	s0 =	sor.u32 s1, s0  }
0xbc: {  	s0 =	sadd.s32 $0x8F2B, s0  }
0xbd: {  	[sflag:s0] =	ssyncadd.remote.s32 $0x1  }
0xbe: {  	_ =	sfence.sel $0xFFFF  }
0xbf: {  	[dreg:$0x0] =	wrdreg $0xFFFFFFFF;
	(pc) =	sbr.abs _section_cstart, $3  }
0xc0: {  	[dreg:$0x1] =	wrdreg $0xFFFFFFFF  }
0xc1: {  	_ =	task.clear_ibuf [dreg:s7], $0x2FFFF;
	_ =	strace $0x9FFFFFFF  }
0xc2: {  	(tm) =	ssettm $0x7FFFFFFF  }
0xc3: {  	_ =	shalt  }
tec
execute0_lowered:
.L_overlay_start_1:
0x0: {  	(tag) =	ssettag $0x1  }
0x1: {  	s4 =	rddreg [dreg:$0x0];
	s1 =	srdreg.scid  }
0x2: {  	s0 =	stileid.u32;
	s5 =	rddreg [dreg:$0x1]  }
0x3: {  	s2 =	simm.s32 $0x0;
	s31 =	simm.s32 $0x4400;
	s11 =	simm.s32 $0x7400  }
0x4: {  	s12 =	simm.s32 $0x8400;
	s13 =	simm.s32 $0x9400;
	s14 =	simm.s32 $0xA400  }
0x5: {  	s15 =	simm.s32 $0xB400;
	s16 =	simm.s32 $0xC400;
	s17 =	simm.s32 $0xD400  }
0x6: {  	s18 =	simm.s32 $0xE400;
	s19 =	simm.s32 $0xF400;
	s20 =	simm.s32 $0x1  }
0x7: {  	s21 =	simm.s32 $0x0;
	s6 =	sand.u32 $0x1, s1;
	s1 =	rddreg [dreg:$0x2]  }
0x8: {  	s3 =	sshll.u32 s0, $0x1;
	[smem:$0x7FF] =	sst s2;
	s8 =	smul.u32 $0x1A000, s0  }
0x9: {  	s3 =	sor.u32 s6, s3;
	s9 =	ssub.s32 $0x2, s6;
	s6 =	smul.u32 $0xD000, s6  }
0xa: {  	_ =	strace $0x80000047;
	[dreg:$0x4] =	wrdreg s31;
	s7 =	smul.u32 $0x3400, s3  }
0xb: {  	s3 =	sadd.s32 $0x27AD000, s4;
	s10 =	sshrl.u32 s9, $0x1;
	s5 =	sadd.s32 s8, s5  }
0xc: {  	s8 =	simm.s32 $0x3400;
	s30 =	ssub.s32 s9, s10;
	s6 =	sadd.s32 s6, s5  }
0xd: {  	s9 =	simm.s32 $0x5400;
	s10 =	simm.s32 $0x6400;
	s7 =	sshrl.u32 s7, $0x3  }
0xe: {  	s5 =	smax.u32 s30, $0x1;
	[dreg:$0x3] =	wrdreg s6;
	s4 =	sadd.s32 s7, s4  }
0xf: {  	s6 =	simm.s32 $0x2;
	s7 =	simm.s32 $0x80;
	s4 =	sadd.s32 $0xC00, s4  }
.LBB2_1:
0x10: {  	[tilespmem:s2], [sflag:$0x2] =	stream.linear.gather [hbm4b:s4+s2], $0x3400, $0x38;
	[tilespmem:$0x10400] =	vst v63  }
0x11: {  	_ =	swait.ge [sflag:s6], $0x3400  }
0x12: {  	[sflag:s6] =	ssyncset.done $0x0  }
0x13: {  	s22 =	simm.s32 $0x0;
	[sflag:s6] =	ssyncadd.s32 $0xFFFFCC00  }
0x14: {  	[tilespmem:s8], [sflag:$0x1] =	stream.indirect.gather [hbm4b:s3+s7], $0x20, s22, s7, $0xb8;
	[tilespmem:$0x10400] =	vst v63  }
0x15: {  	s26 =	simm.s32 $0x80;
	s23 =	rddreg [dreg:$0x4]  }
0x16: {  	[tilespmem:s23], [sflag:$0x1] =	stream.indirect.gather [hbm4b:s3+s7], $0x20, s26, s7, $0xb8;
	[tilespmem:$0x10400] =	vst v63  }
0x17: {  	s28 =	simm.s32 $0x100  }
0x18: {  	[tilespmem:s9], [sflag:$0x1] =	stream.indirect.gather [hbm4b:s3+s7], $0x20, s28, s7, $0xb8;
	[tilespmem:$0x10400] =	vst v63  }
0x19: {  	s29 =	simm.s32 $0x180  }
0x1a: {  	[tilespmem:s10], [sflag:$0x1] =	stream.indirect.gather [hbm4b:s3+s7], $0x20, s29, s7, $0xb8;
	[tilespmem:$0x10400] =	vst v63  }
0x1b: {  	s30 =	simm.s32 $0x200  }
0x1c: {  	[tilespmem:s11], [sflag:$0x1] =	stream.indirect.gather [hbm4b:s3+s7], $0x20, s30, s7, $0xb8;
	[tilespmem:$0x10400] =	vst v63  }
0x1d: {  	s31 =	simm.s32 $0x280  }
0x1e: {  	[tilespmem:s12], [sflag:$0x1] =	stream.indirect.gather [hbm4b:s3+s7], $0x20, s31, s7, $0xb8;
	[tilespmem:$0x10400] =	vst v63  }
0x1f: {  	s23 =	simm.s32 $0x300  }
0x20: {  	[tilespmem:s13], [sflag:$0x1] =	stream.indirect.gather [hbm4b:s3+s7], $0x20, s23, s7, $0xb8;
	[tilespmem:$0x10400] =	vst v63  }
0x21: {  	s24 =	simm.s32 $0x380  }
0x22: {  	[tilespmem:s14], [sflag:$0x1] =	stream.indirect.gather [hbm4b:s3+s7], $0x20, s24, s7, $0xb8;
	[tilespmem:$0x10400] =	vst v63  }
0x23: {  	s25 =	simm.s32 $0x400  }
0x24: {  	[tilespmem:s15], [sflag:$0x1] =	stream.indirect.gather [hbm4b:s3+s7], $0x20, s25, s7, $0xb8;
	[tilespmem:$0x10400] =	vst v63  }
0x25: {  	s26 =	simm.s32 $0x480  }
0x26: {  	[tilespmem:s16], [sflag:$0x1] =	stream.indirect.gather [hbm4b:s3+s7], $0x20, s26, s7, $0xb8;
	[tilespmem:$0x10400] =	vst v63  }
0x27: {  	s28 =	simm.s32 $0x500  }
0x28: {  	[tilespmem:s17], [sflag:$0x1] =	stream.indirect.gather [hbm4b:s3+s7], $0x20, s28, s7, $0xb8;
	[tilespmem:$0x10400] =	vst v63  }
0x29: {  	s29 =	simm.s32 $0x580  }
0x2a: {  	[tilespmem:s18], [sflag:$0x1] =	stream.indirect.gather [hbm4b:s3+s7], $0x20, s29, s7, $0xb8;
	[tilespmem:$0x10400] =	vst v63  }
0x2b: {  	s30 =	simm.s32 $0x600  }
0x2c: {  	[tilespmem:s19], [sflag:$0x1] =	stream.indirect.gather [hbm4b:s3+s7], $0x20, s30, s7, $0xb8;
	[tilespmem:$0x10400] =	vst v63  }
0x2d: {  	_ =	swait.ge [sflag:s20], $0x1000  }
0x2e: {  	[sflag:s20] =	ssyncset.done $0x0  }
0x2f: {  	[sflag:s20] =	ssyncadd.s32 $0xFFFFF000  }
0x30: {  	_ =	swait.ge [sflag:s20], $0x1000  }
0x31: {  	[sflag:s20] =	ssyncset.done $0x0  }
0x32: {  	[sflag:s20] =	ssyncadd.s32 $0xFFFFF000  }
0x33: {  	_ =	swait.ge [sflag:s20], $0x1000  }
0x34: {  	[sflag:s20] =	ssyncset.done $0x0  }
0x35: {  	[sflag:s20] =	ssyncadd.s32 $0xFFFFF000  }
0x36: {  	_ =	swait.ge [sflag:s20], $0x1000  }
0x37: {  	[sflag:s20] =	ssyncset.done $0x0  }
0x38: {  	[sflag:s20] =	ssyncadd.s32 $0xFFFFF000  }
0x39: {  	_ =	swait.ge [sflag:s20], $0x1000  }
0x3a: {  	[sflag:s20] =	ssyncset.done $0x0  }
0x3b: {  	[sflag:s20] =	ssyncadd.s32 $0xFFFFF000  }
0x3c: {  	_ =	swait.ge [sflag:s20], $0x1000  }
0x3d: {  	[sflag:s20] =	ssyncset.done $0x0  }
0x3e: {  	[sflag:s20] =	ssyncadd.s32 $0xFFFFF000  }
0x3f: {  	_ =	swait.ge [sflag:s20], $0x1000  }
0x40: {  	[sflag:s20] =	ssyncset.done $0x0  }
0x41: {  	[sflag:s20] =	ssyncadd.s32 $0xFFFFF000  }
0x42: {  	_ =	swait.ge [sflag:s20], $0x1000  }
0x43: {  	[sflag:s20] =	ssyncset.done $0x0  }
0x44: {  	[sflag:s20] =	ssyncadd.s32 $0xFFFFF000  }
0x45: {  	_ =	swait.ge [sflag:s20], $0x1000  }
0x46: {  	[sflag:s20] =	ssyncset.done $0x0  }
0x47: {  	[sflag:s20] =	ssyncadd.s32 $0xFFFFF000  }
0x48: {  	_ =	swait.ge [sflag:s20], $0x1000  }
0x49: {  	[sflag:s20] =	ssyncset.done $0x0  }
0x4a: {  	[sflag:s20] =	ssyncadd.s32 $0xFFFFF000  }
0x4b: {  	_ =	swait.ge [sflag:s20], $0x1000  }
0x4c: {  	[sflag:s20] =	ssyncset.done $0x0  }
0x4d: {  	[sflag:s20] =	ssyncadd.s32 $0xFFFFF000  }
0x4e: {  	_ =	swait.ge [sflag:s20], $0x1000  }
0x4f: {  	[sflag:s20] =	ssyncset.done $0x0  }
0x50: {  	[sflag:s20] =	ssyncadd.s32 $0xFFFFF000  }
0x51: {  	_ =	swait.ge [sflag:s20], $0x1000  }
0x52: {  	s31 =	rddreg [dreg:$0x3];
	[sflag:s20] =	ssyncset.done $0x0  }
0x53: {  	[sflag:s20] =	ssyncadd.s32 $0xFFFFF000;
	s22 =	sadd.s32 $0x0, s31  }
0x54: {  	[hbm4b:s22+s2] =	stream.linear.scatter [tilespmem:s8], [sflag:$0x2], $0xD000, $0x38;
	[tilespmem:$0x10400] =	vst v63  }
0x55: {  	_ =	swait.ge [sflag:s6], $0xD000  }
0x56: {  	s23 =	simm.s32 $0x3400;
	s22 =	simm.s32 $0x1A00;
	[sflag:s6] =	ssyncset.done $0x0  }
.LBB2_2:
0x57: {  	s25 =	sshra.s32 s22, $0x2;
	[sflag:s6] =	ssyncadd.s32 $0xFFFF3000  }
0x58: {  	[tilespmem:s8], [sflag:$0x1] =	stream.indirect.gather [hbm4b:s3+s7], $0x20, s25, s7, $0xb8;
	[tilespmem:$0x10400] =	vst v63  }
0x59: {  	s26 =	rddreg [dreg:$0x4];
	s28 =	sadd.s32 $0x80, s25  }
0x5a: {  	[tilespmem:s26], [sflag:$0x1] =	stream.indirect.gather [hbm4b:s3+s7], $0x20, s28, s7, $0xb8;
	[tilespmem:$0x10400] =	vst v63  }
0x5b: {  	s29 =	sadd.s32 $0x100, s25  }
0x5c: {  	[tilespmem:s9], [sflag:$0x1] =	stream.indirect.gather [hbm4b:s3+s7], $0x20, s29, s7, $0xb8;
	[tilespmem:$0x10400] =	vst v63  }
0x5d: {  	s30 =	sadd.s32 $0x180, s25  }
0x5e: {  	[tilespmem:s10], [sflag:$0x1] =	stream.indirect.gather [hbm4b:s3+s7], $0x20, s30, s7, $0xb8;
	[tilespmem:$0x10400] =	vst v63  }
0x5f: {  	s31 =	sadd.s32 $0x200, s25  }
0x60: {  	[tilespmem:s11], [sflag:$0x1] =	stream.indirect.gather [hbm4b:s3+s7], $0x20, s31, s7, $0xb8;
	[tilespmem:$0x10400] =	vst v63  }
0x61: {  	s28 =	sadd.s32 $0x280, s25  }
0x62: {  	[tilespmem:s12], [sflag:$0x1] =	stream.indirect.gather [hbm4b:s3+s7], $0x20, s28, s7, $0xb8;
	[tilespmem:$0x10400] =	vst v63  }
0x63: {  	s29 =	sadd.s32 $0x300, s25  }
0x64: {  	[tilespmem:s13], [sflag:$0x1] =	stream.indirect.gather [hbm4b:s3+s7], $0x20, s29, s7, $0xb8;
	[tilespmem:$0x10400] =	vst v63  }
0x65: {  	s30 =	sadd.s32 $0x380, s25  }
0x66: {  	[tilespmem:s14], [sflag:$0x1] =	stream.indirect.gather [hbm4b:s3+s7], $0x20, s30, s7, $0xb8;
	[tilespmem:$0x10400] =	vst v63  }
0x67: {  	s31 =	sadd.s32 $0x400, s25  }
0x68: {  	[tilespmem:s15], [sflag:$0x1] =	stream.indirect.gather [hbm4b:s3+s7], $0x20, s31, s7, $0xb8;
	[tilespmem:$0x10400] =	vst v63  }
0x69: {  	s28 =	sadd.s32 $0x480, s25  }
0x6a: {  	[tilespmem:s16], [sflag:$0x1] =	stream.indirect.gather [hbm4b:s3+s7], $0x20, s28, s7, $0xb8;
	[tilespmem:$0x10400] =	vst v63  }
0x6b: {  	s29 =	sadd.s32 $0x500, s25  }
0x6c: {  	[tilespmem:s17], [sflag:$0x1] =	stream.indirect.gather [hbm4b:s3+s7], $0x20, s29, s7, $0xb8;
	[tilespmem:$0x10400] =	vst v63  }
0x6d: {  	s30 =	sadd.s32 $0x580, s25  }
0x6e: {  	[tilespmem:s18], [sflag:$0x1] =	stream.indirect.gather [hbm4b:s3+s7], $0x20, s30, s7, $0xb8;
	[tilespmem:$0x10400] =	vst v63  }
0x6f: {  	s25 =	sadd.s32 $0x600, s25  }
0x70: {  	[tilespmem:s19], [sflag:$0x1] =	stream.indirect.gather [hbm4b:s3+s7], $0x20, s25, s7, $0xb8;
	[tilespmem:$0x10400] =	vst v63  }
0x71: {  	_ =	swait.ge [sflag:s20], $0x1000  }
0x72: {  	[sflag:s20] =	ssyncset.done $0x0  }
0x73: {  	[sflag:s20] =	ssyncadd.s32 $0xFFFFF000  }
0x74: {  	_ =	swait.ge [sflag:s20], $0x1000  }
0x75: {  	[sflag:s20] =	ssyncset.done $0x0  }
0x76: {  	[sflag:s20] =	ssyncadd.s32 $0xFFFFF000  }
0x77: {  	_ =	swait.ge [sflag:s20], $0x1000  }
0x78: {  	[sflag:s20] =	ssyncset.done $0x0  }
0x79: {  	[sflag:s20] =	ssyncadd.s32 $0xFFFFF000  }
0x7a: {  	_ =	swait.ge [sflag:s20], $0x1000  }
0x7b: {  	[sflag:s20] =	ssyncset.done $0x0  }
0x7c: {  	[sflag:s20] =	ssyncadd.s32 $0xFFFFF000  }
0x7d: {  	_ =	swait.ge [sflag:s20], $0x1000  }
0x7e: {  	[sflag:s20] =	ssyncset.done $0x0  }
0x7f: {  	[sflag:s20] =	ssyncadd.s32 $0xFFFFF000  }
0x80: {  	_ =	swait.ge [sflag:s20], $0x1000  }
0x81: {  	[sflag:s20] =	ssyncset.done $0x0  }
0x82: {  	[sflag:s20] =	ssyncadd.s32 $0xFFFFF000  }
0x83: {  	_ =	swait.ge [sflag:s20], $0x1000  }
0x84: {  	[sflag:s20] =	ssyncset.done $0x0  }
0x85: {  	[sflag:s20] =	ssyncadd.s32 $0xFFFFF000  }
0x86: {  	_ =	swait.ge [sflag:s20], $0x1000  }
0x87: {  	[sflag:s20] =	ssyncset.done $0x0  }
0x88: {  	[sflag:s20] =	ssyncadd.s32 $0xFFFFF000  }
0x89: {  	_ =	swait.ge [sflag:s20], $0x1000  }
0x8a: {  	[sflag:s20] =	ssyncset.done $0x0  }
0x8b: {  	[sflag:s20] =	ssyncadd.s32 $0xFFFFF000  }
0x8c: {  	_ =	swait.ge [sflag:s20], $0x1000  }
0x8d: {  	[sflag:s20] =	ssyncset.done $0x0  }
0x8e: {  	[sflag:s20] =	ssyncadd.s32 $0xFFFFF000  }
0x8f: {  	_ =	swait.ge [sflag:s20], $0x1000  }
0x90: {  	[sflag:s20] =	ssyncset.done $0x0  }
0x91: {  	[sflag:s20] =	ssyncadd.s32 $0xFFFFF000  }
0x92: {  	_ =	swait.ge [sflag:s20], $0x1000  }
0x93: {  	[sflag:s20] =	ssyncset.done $0x0  }
0x94: {  	[sflag:s20] =	ssyncadd.s32 $0xFFFFF000  }
0x95: {  	p0 =	sne.s32 s23, $0xB600;
	_ =	swait.ge [sflag:s20], $0x1000  }
.Ltmp0:
0x96: {  	s31 =	rddreg [dreg:$0x3];
	[sflag:s20] =	ssyncset.done $0x0;
	(pc) =	sbr.rel @p0 .LBB2_2-.Ltmp0, $4  }
0x97: {  	[sflag:s20] =	ssyncadd.s32 $0xFFFFF000;
	s25 =	sadd.s32 s22, s31  }
0x98: {  	[hbm4b:s25+s2] =	stream.linear.scatter [tilespmem:s8], [sflag:$0x2], $0xD000, $0x38;
	[tilespmem:$0x10400] =	vst v63  }
0x99: {  	s24 =	smov.u32 s23;
	_ =	swait.ge [sflag:s6], $0xD000  }
0x9a: {  	s23 =	sadd.s32 $0x1A00, s23;
	s22 =	smov.u32 s24;
	[sflag:s6] =	ssyncset.done $0x0  }
0x9b: {  	s23 =	sshra.s32 s22, $0x2;
	[sflag:s6] =	ssyncadd.s32 $0xFFFF3000  }
0x9c: {  	[tilespmem:s8], [sflag:$0x1] =	stream.indirect.gather [hbm4b:s3+s7], $0x20, s23, s7, $0xb8;
	[tilespmem:$0x10400] =	vst v63  }
0x9d: {  	s24 =	rddreg [dreg:$0x4];
	s25 =	sadd.s32 $0x80, s23  }
0x9e: {  	[tilespmem:s24], [sflag:$0x1] =	stream.indirect.gather [hbm4b:s3+s7], $0x20, s25, s7, $0xb8;
	[tilespmem:$0x10400] =	vst v63  }
0x9f: {  	s25 =	sadd.s32 $0x100, s23  }
0xa0: {  	[tilespmem:s9], [sflag:$0x1] =	stream.indirect.gather [hbm4b:s3+s7], $0x20, s25, s7, $0xb8;
	[tilespmem:$0x10400] =	vst v63  }
0xa1: {  	s26 =	sadd.s32 $0x180, s23  }
0xa2: {  	[tilespmem:s10], [sflag:$0x1] =	stream.indirect.gather [hbm4b:s3+s7], $0x20, s26, s7, $0xb8;
	[tilespmem:$0x10400] =	vst v63  }
0xa3: {  	s28 =	sadd.s32 $0x200, s23  }
0xa4: {  	[tilespmem:s11], [sflag:$0x1] =	stream.indirect.gather [hbm4b:s3+s7], $0x20, s28, s7, $0xb8;
	[tilespmem:$0x10400] =	vst v63  }
0xa5: {  	s29 =	sadd.s32 $0x280, s23  }
0xa6: {  	[tilespmem:s12], [sflag:$0x1] =	stream.indirect.gather [hbm4b:s3+s7], $0x20, s29, s7, $0xb8;
	[tilespmem:$0x10400] =	vst v63  }
0xa7: {  	s30 =	sadd.s32 $0x300, s23  }
0xa8: {  	[tilespmem:s13], [sflag:$0x1] =	stream.indirect.gather [hbm4b:s3+s7], $0x20, s30, s7, $0xb8;
	[tilespmem:$0x10400] =	vst v63  }
0xa9: {  	s31 =	sadd.s32 $0x380, s23  }
0xaa: {  	[tilespmem:s14], [sflag:$0x1] =	stream.indirect.gather [hbm4b:s3+s7], $0x20, s31, s7, $0xb8;
	[tilespmem:$0x10400] =	vst v63  }
0xab: {  	s25 =	sadd.s32 $0x400, s23  }
0xac: {  	[tilespmem:s15], [sflag:$0x1] =	stream.indirect.gather [hbm4b:s3+s7], $0x20, s25, s7, $0xb8;
	[tilespmem:$0x10400] =	vst v63  }
0xad: {  	s26 =	sadd.s32 $0x480, s23  }
0xae: {  	[tilespmem:s16], [sflag:$0x1] =	stream.indirect.gather [hbm4b:s3+s7], $0x20, s26, s7, $0xb8;
	[tilespmem:$0x10400] =	vst v63  }
0xaf: {  	s28 =	sadd.s32 $0x500, s23  }
0xb0: {  	[tilespmem:s17], [sflag:$0x1] =	stream.indirect.gather [hbm4b:s3+s7], $0x20, s28, s7, $0xb8;
	[tilespmem:$0x10400] =	vst v63  }
0xb1: {  	s29 =	sadd.s32 $0x580, s23  }
0xb2: {  	[tilespmem:s18], [sflag:$0x1] =	stream.indirect.gather [hbm4b:s3+s7], $0x20, s29, s7, $0xb8;
	[tilespmem:$0x10400] =	vst v63  }
0xb3: {  	s23 =	sadd.s32 $0x600, s23  }
0xb4: {  	[tilespmem:s19], [sflag:$0x1] =	stream.indirect.gather [hbm4b:s3+s7], $0x20, s23, s7, $0xb8;
	[tilespmem:$0x10400] =	vst v63  }
0xb5: {  	_ =	swait.ge [sflag:s20], $0x1000  }
0xb6: {  	[sflag:s20] =	ssyncset.done $0x0  }
0xb7: {  	[sflag:s20] =	ssyncadd.s32 $0xFFFFF000  }
0xb8: {  	_ =	swait.ge [sflag:s20], $0x1000  }
0xb9: {  	[sflag:s20] =	ssyncset.done $0x0  }
0xba: {  	[sflag:s20] =	ssyncadd.s32 $0xFFFFF000  }
0xbb: {  	_ =	swait.ge [sflag:s20], $0x1000  }
0xbc: {  	[sflag:s20] =	ssyncset.done $0x0  }
0xbd: {  	[sflag:s20] =	ssyncadd.s32 $0xFFFFF000  }
0xbe: {  	_ =	swait.ge [sflag:s20], $0x1000  }
0xbf: {  	[sflag:s20] =	ssyncset.done $0x0  }
0xc0: {  	[sflag:s20] =	ssyncadd.s32 $0xFFFFF000  }
0xc1: {  	_ =	swait.ge [sflag:s20], $0x1000  }
0xc2: {  	[sflag:s20] =	ssyncset.done $0x0  }
0xc3: {  	[sflag:s20] =	ssyncadd.s32 $0xFFFFF000  }
0xc4: {  	_ =	swait.ge [sflag:s20], $0x1000  }
0xc5: {  	[sflag:s20] =	ssyncset.done $0x0  }
0xc6: {  	[sflag:s20] =	ssyncadd.s32 $0xFFFFF000  }
0xc7: {  	_ =	swait.ge [sflag:s20], $0x1000  }
0xc8: {  	[sflag:s20] =	ssyncset.done $0x0  }
0xc9: {  	[sflag:s20] =	ssyncadd.s32 $0xFFFFF000  }
0xca: {  	_ =	swait.ge [sflag:s20], $0x1000  }
0xcb: {  	[sflag:s20] =	ssyncset.done $0x0  }
0xcc: {  	[sflag:s20] =	ssyncadd.s32 $0xFFFFF000  }
0xcd: {  	_ =	swait.ge [sflag:s20], $0x1000  }
0xce: {  	[sflag:s20] =	ssyncset.done $0x0  }
0xcf: {  	[sflag:s20] =	ssyncadd.s32 $0xFFFFF000  }
0xd0: {  	_ =	swait.ge [sflag:s20], $0x1000  }
0xd1: {  	[sflag:s20] =	ssyncset.done $0x0  }
0xd2: {  	[sflag:s20] =	ssyncadd.s32 $0xFFFFF000  }
0xd3: {  	_ =	swait.ge [sflag:s20], $0x1000  }
0xd4: {  	[sflag:s20] =	ssyncset.done $0x0  }
0xd5: {  	[sflag:s20] =	ssyncadd.s32 $0xFFFFF000  }
0xd6: {  	_ =	swait.ge [sflag:s20], $0x1000  }
0xd7: {  	[sflag:s20] =	ssyncset.done $0x0  }
0xd8: {  	[sflag:s20] =	ssyncadd.s32 $0xFFFFF000  }
0xd9: {  	s21 =	sadd.s32 $0x1, s21;
	_ =	swait.ge [sflag:s20], $0x1000  }
0xda: {  	p0 =	sne.s32 s21, s5;
	s30 =	rddreg [dreg:$0x3];
	[sflag:s20] =	ssyncset.done $0x0  }
.Ltmp1:
0xdb: {  	[sflag:s20] =	ssyncadd.s32 $0xFFFFF000;
	s31 =	sadd.s32 s22, s30;
	(pc) =	sbr.rel @p0 .LBB2_1-.Ltmp1, $4  }
0xdc: {  	[hbm4b:s31+s2] =	stream.linear.scatter [tilespmem:s8], [sflag:$0x2], $0xD000, $0x38;
	[tilespmem:$0x10400] =	vst v63  }
0xdd: {  	_ =	swait.ge [sflag:s6], $0xD000  }
0xde: {  	[sflag:s6] =	ssyncset.done $0x0  }
0xdf: {  	[sflag:s6] =	ssyncadd.s32 $0xFFFF3000  }
0xe0: {  	_ =	sfence.sel $0x180000  }
0xe1: {  	[bflag:$0x0] =	sbarrier.arrive $0xFFFF  }
0xe2: {  	p0 =	sne.s32 s0, $0x0;
	_ =	strace $0x90000047  }
0xe3: {  	s0 =	sadd.s32 @!p0 $0x100000, s1;
	[bflag:$0x2] =	sbarrier.arrive $0xFFFF  }
0xe4: {  	[sflag:s0] =	ssyncadd.tile.s32 @!p0 $0x1;
	_ =	shalt  }
.Lfunc_end2:
_tile_overlayer_lowered:
.L_overlay_start_2:
0xe5: {  	(tag) =	ssettag $0x2  }
0xe6: {  	s0 =	rddreg [dreg:$0x0];
	s2 =	stileid.u32  }
0xe7: {  	s1 =	rddreg [dreg:$0x1];
	p0 =	sne.s32 s2, $0x0  }
0xe8: {  	s3 =	rddreg [dreg:$0x2];
	[bflag:$0x3] =	sbarrier.arrive $0xFFFF;
	s2 =	simm.s32 @!p0 $0x1C02  }
0xe9: {  	[timem:s3], [sflag:s2] =	dma.local @!p0 [hbm:s0], s1  }
0xea: {  	s0 =	simm.s32 @!p0 $0x2  }
0xeb: {  	_ =	swait.ge @!p0 [sflag:s0], s1  }
0xec: {  	s1 =	ssub.s32 @!p0 $0x0, s1;
	[sflag:s0] =	ssyncset.done @!p0 $0x0  }
0xed: {  	[sflag:s0] =	ssyncadd.s32 @!p0 s1  }
0xee: {  	[bflag:$0x3] =	sbarrier.arrive $0xFFFF  }
0xef: {  	_ =	shalt  }

// kernel: sparse-core-data-format-call.cloned.1.call-start
scs
called_computation_lowered:
.L_overlay_start_0:
0x0: {  	s2 =	sld [smem:$0x3FD9]  }
0x1: {  	s3 =	sld [smem:$0x3FFE];
	_ =	sdelay $0x1  }
0x2: {  	s1 =	srdreg.scid  }
0x3: {  	s0 =	sand.u32 $0x1, s1  }
0x4: {  	s18 =	sshll.u32 s0, $0xA;
	s2 =	sadd.s32 s3, s2  }
0x5: {  	s2 =	sadd.s32 s2, s18  }
0x6: {  	[smem:$0x3FC6] =	sst s2  }
0x7: {  	_ = 	snop  }
0x8: {  	s2 =	sld [smem:$0x3FD0];
	(tm) =	ssettm $0x1  }
0x9: {  	s19 =	sld [smem:$0x3FFB];
	_ =	sdelay $0x3  }
0xa: {  	_ =	strace s19  }
0xb: {  	s3 =	sld [smem:$0x3FFC];
	_ =	sdelay $0x3  }
0xc: {  	_ =	strace s3  }
0xd: {  	s3 =	sld [smem:$0x3FFD];
	_ =	sdelay $0x3  }
0xe: {  	_ =	strace s3  }
0xf: {  	_ =	strace $0x8FFFFFFF  }
0x10: {  	s20 =	sld [smem:$0x3FDB];
	_ =	sdelay $0x1  }
0x11: {  	s4 =	simm.s32 $_scs_section_size  }
0x12: {  	s5 =	simm.s32 $_size__tile_overlayer_lowered;
	s6 =	simm.s32 $_tile_overlayer_lowered  }
0x13: {  	s23 =	simm.s32 $0x1BFF;
	s22 =	sshll.u32 s6, $0x1;
	s3 =	sadd.s32 s4, s20  }
0x14: {  	s7 =	simm.s32 $0x0;
	s21 =	sshll.u32 s5, $0x1;
	s5 =	sadd.s32 s22, s3  }
0x15: {  	[timem:s7], [sflag:s23] =	dma.local [hbm:s5], s21  }
0x16: {  	_ =	swait.ge [sflag:s23], s21  }
0x17: {  	s4 =	ssub.s32 $0x0, s21;
	[sflag:s23] =	ssyncset.done $0x0  }
0x18: {  	[sflag:s23] =	ssyncadd.s32 s4;
	_ =	sdelay $0x1  }
0x19: {  	s24 =	simm.s32 $0x1B8B  }
0x1a: {  	_ =	swait.ge [sflag:s24], $0x1  }
0x1b: {  	[sflag:s24] =	ssyncset.done $0x0  }
0x1c: {  	s26 =	simm.s32 $0x1B8E;
	s25 =	sld [smem:$0x3FFE];
	[sflag:s24] =	ssyncadd.s32 $0xFFFFFFFF  }
0x1d: {  	s27 =	simm.s32 $execute0_lowered;
	[smem:$0x3FD2] =	sst s26  }
0x1e: {  	s5 =	sshll.u32 s27, $0x1;
	_ =	strace $0x80000049;
	[dreg:$0x1] =	wrdreg $0xFFFFFFFF  }
0x1f: {  	s28 =	simm.s32 $_size_execute0_lowered;
	s3 =	sadd.s32 s3, s5;
	[dreg:$0x0] =	wrdreg $0x0  }
0x20: {  	s5 =	sshll.u32 s28, $0x1;
	[dreg:$0x2] =	wrdreg s3  }
0x21: {  	[dreg:$0x3] =	wrdreg s5  }
0x22: {  	[dreg:$0x4] =	wrdreg $0xC0  }
0x23: {  	_ =	task [dreg:s7], $0x5FFFF  }
0x24: {  	[dreg:$0x1] =	wrdreg $0xFFFFFFFF  }
0x25: {  	[dreg:$0x0] =	wrdreg $0x60  }
0x26: {  	[dreg:$0x2] =	wrdreg s25  }
0x27: {  	[dreg:$0x3] =	wrdreg s2  }
0x28: {  	[dreg:$0x4] =	wrdreg $0x9  }
0x29: {  	_ =	task.clear_ibuf [dreg:s7], $0x5FFFF;
	_ =	strace $0x90000049  }
0x2a: {  	s29 =	simm.s32 $0x9;
	_ =	strace $0x8000004B  }
0x2b: {  	_ =	swait.ge [sflag:s29], $0x1  }
0x2c: {  	[sflag:s29] =	ssyncadd.s32 $0xFFFFFFFF  }
0x2d: {  	_ =	strace $0x9000004B  }
0x2e: {  	_ =	sfence  }
0x2f: {  	s30 =	sld [smem:$0x0];
	_ =	sdelay $0x2  }
0x30: {  	s31 =	sshll.u32 s1, $0xD;
	s1 =	sshrl.u32 s1, $0x2  }
0x31: {  	s3 =	sand.u32 $0x4000, s31;
	s1 =	sadd.s32 s1, s30  }
0x32: {  	s0 =	sor.u32 s3, s0;
	s1 =	sshll.u32 s1, $0x11  }
0x33: {  	s0 =	sor.u32 s1, s0  }
0x34: {  	s0 =	sadd.s32 $0x8F2B, s0  }
0x35: {  	[sflag:s0] =	ssyncadd.remote.s32 $0x1  }
0x36: {  	_ =	sfence.sel $0xFFFF  }
0x37: {  	[dreg:$0x0] =	wrdreg $0xFFFFFFFF;
	(pc) =	sbr.abs _section_cstart, $3  }
0x38: {  	[dreg:$0x1] =	wrdreg $0xFFFFFFFF  }
0x39: {  	_ =	task.clear_ibuf [dreg:s7], $0x2FFFF;
	_ =	strace $0x9FFFFFFF  }
0x3a: {  	(tm) =	ssettm $0x7FFFFFFF  }
0x3b: {  	_ =	shalt  }
tec
execute0_lowered:
.L_overlay_start_1:
0x0: {  	(tag) =	ssettag $0x1  }
0x1: {  	s0 =	srdreg.scid  }
0x2: {  	s1 =	sshll.u32 s0, $0x4  }
0x3: {  	s0 =	stileid.u32;
	s1 =	sand.u32 $0x10, s1  }
0x4: {  	s1 =	sor.u32 s0, s1  }
0x5: {  	s6 =	rddreg [dreg:$0x0];
	s4 =	simm.s32 $0x1;
	s2 =	sshll.u32 s1, $0x7  }
0x6: {  	s7 =	simm.s32 $0x2;
	s12 =	simm.s32 $0x0;
	s1 =	ssub.s32 $0x4000, s2  }
0x7: {  	s8 =	simm.s32 $0x20000;
	s13 =	simm.s32 $0x0;
	s3 =	sand.u32 $0xF80, s1  }
0x8: {  	s9 =	simm.s32 $0x0;
	s5 =	sshrl.u32 s1, $0xC;
	p0 =	sne.s32 s3, $0x0  }
.Ltmp0:
0x9: {  	s1 =	rddreg [dreg:$0x2];
	s4 =	simm.s32 @!p0 $0x0;
	(pc) =	sbr.rel .LBB1_1-.Ltmp0, $4  }
0xa: {  	s11 =	simm.s32 $0x0;
	s3 =	rddreg [dreg:$0x1];
	s5 =	sadd.s32 s4, s5  }
0xb: {  	_ =	strace $0x8000004A;
	s4 =	simm.s32 $0x1;
	s5 =	smul.u32 $0x1A, s5  }
0xc: {  	s6 =	sadd.s32 $0xC00, s6;
	s10 =	smov.u32 s2;
	[sflag:s4] =	ssyncpa.u1 $0x0  }
0xd: {  	p0 =	por $0x0, $0x0;
	[sflag:s7] =	ssyncpa.u1 $0x0;
	s7 =	sor.u32 $0x1, s5  }
.LBB1_4:
0xe: {  	s16 =	sshll.u32 s13, $0x3;
	s17 =	sand.u32 $0x78, s13  }
0xf: {  	s30 =	sand.u32 $0xF800, s13;
	s12 =	sshll.u32 s12, $0x10;
	s16 =	sand.u32 $0x3C00, s16  }
0x10: {  	s31 =	sand.u32 $0x7, s13;
	s16 =	sor.u32 s17, s16;
	s17 =	sadd.s32 s3, s30  }
0x11: {  	s13 =	sshll.u32 s31, $0x12;
	s16 =	sshrl.u32 s16, $0x3;
	s12 =	sadd.s32 s12, s17  }
0x12: {  	[tilespmem:s15+$0x0 ss:$0x81] =	vst.msk $0xffff, v0;
	s13 =	sor.u32 $0x400, s13;
	s12 =	sadd.s32 s16, s12  }
0x13: {  	[hbm4b:s12+s13] =	stream.strided.scatter [tilespmem:s14], [sflag:$0x2], $0x1000, s8, s13, $0x20;
	[tilespmem:$0x4040] =	vst v63  }
.LBB1_5:
0x14: {  	s14 =	sadd.s32 $0x1, s9  }
0x15: {  	s12 =	sadd.s32 $0x1000, s10;
	s16 =	smov.u32 s10;
	p2 =	sgt.s32 s14, $0x19  }
0x16: {  	s16 =	smov.u32 @p2 s12  }
0x17: {  	s14 =	simm.s32 @p2 $0x0;
	p2 =	sgt.s32 s16, $0x3FFF  }
0x18: {  	s16 =	smov.u32 @p2 s2;
	p2 =	sne.s32 s11, s7  }
.Ltmp1:
0x19: {  	p1 =	slt.u32 s11, $0x2;
	(pc) =	sbr.rel @!p2 .LBB1_6-.Ltmp1, $4  }
0x1a: {  	s15 =	simm.s32 @!p1 $0x2  }
0x1b: {  	s13 =	smov.u32 s10;
	p0 =	por !p0, !p0;
	_ =	swait.ge @!p1 [sflag:s15], $0x1000  }
0x1c: {  	s12 =	smov.u32 s9;
	[sflag:s15] =	ssyncset.done @!p1 $0x0;
	s9 =	smov.u32 s14  }
0x1d: {  	s11 =	sadd.s32 $0x1, s11;
	[sflag:s15] =	ssyncadd.s32 @!p1 $0xFFFFF000;
	s10 =	smov.u32 s16  }
.LBB1_1:
0x1e: {  	p1 =	sge.u32 s11, s5  }
0x1f: {  	s31 =	sadd.s32 $0xFFFFFFFF, s11;
	s14 =	sxor.u32 @!p1 $0xFFFFFFFF, s11  }
0x20: {  	s15 =	sshll.u32 @!p1 s10, $0x9;
	s16 =	sshll.u32 @!p1 s9, $0x4;
	s17 =	simm.s32 @!p1 $0x1000  }
0x21: {  	s14 =	sshll.u32 @!p1 s14, $0xC;
	s16 =	sand.u32 @!p1 $0x1F0, s16;
	s15 =	sadd.s32 @!p1 s6, s15  }
0x22: {  	s14 =	sand.u32 @!p1 $0x1000, s14;
	s15 =	sadd.s32 @!p1 s16, s15;
	s16 =	simm.s32 @!p1 $0x20  }
0x23: {  	[tilespmem:s14], [sflag:$0x1] =	stream.strided.gather @!p1 [hbm4b:s15+s16], $0x1000, s17, s16, $0x38;
	[tilespmem:$0x4040] =	vst v63  }
0x24: {  	p1 =	sge.u32 s31, s5  }
.Ltmp2:
0x25: {  	_ = 	snop;
	(pc) =	sbr.rel @p1 .LBB1_5-.Ltmp2, $1  }
0x26: {  	_ =	sdelay $0x3  }
0x27: {  	s14 =	simm.s32 $0x1  }
0x28: {  	_ =	swait.ge [sflag:s4], $0x1000;
	s14 =	simm.s32 @!p0 $0x0  }
0x29: {  	[sflag:s4] =	ssyncset.done $0x0;
	s15 =	sshll.u32 s14, $0xC  }
0x2a: {  	[sflag:s4] =	ssyncadd.s32 $0xFFFFF000;
	s18 =	sor.u32 $0x10, s15  }
0x2b: {  	s14 =	smul.u32 $0x4080, s14;
	v1 =	vld [tilespmem:s18+$0x0]  }
0x2c: {  	s30 =	sand.u32 $0x1, s11;
	v0 =	vld [tilespmem:s18+$0xFFFFFFF0]  }
0x2d: {  	s15 =	smul.u32 $0x4080, s30;
	s14 =	sshrl.u32 s14, $0x2  }
0x2e: {  	s16 =	sor.u32 $0x2000, s14  }
0x2f: {  	s31 =	sshrl.u32 s15, $0x2;
	s15 =	sadd.s32 $0x0, s16  }
0x30: {  	s17 =	simm.s32 $0x4;
	s18 =	sadd.s32 $0x20, s18;
	s14 =	sor.u32 $0x2000, s31;
	[tilespmem:s15+$0x810 ss:$0x81] =	vst.msk $0xffff, v1  }
.LBB1_3:
0x31: {  	v1 =	vld [tilespmem:s18+$0x0];
	p1 =	sne.s32 s17, $0x1FC;
	[tilespmem:s15+$0x0 ss:$0x81] =	vst.msk $0xffff, v0;
	s15 =	smov.u32 s17;
	s17 =	sadd.s32 $0x4, s17  }
.Ltmp3:
0x32: {  	v0 =	vld [tilespmem:s18+$0xFFFFFFF0];
	(pc) =	sbr.rel @p1 .LBB1_3-.Ltmp3, $4  }
0x33: {  	_ = 	snop  }
0x34: {  	s15 =	sshra.s32 s15, $0x2  }
0x35: {  	s15 =	sadd.s32 s15, s16  }
0x36: {  	s18 =	sadd.s32 $0x20, s18;
	[tilespmem:s15+$0x810 ss:$0x81] =	vst.msk $0xffff, v1  }
.Ltmp4:
0x37: {  	_ = 	snop;
	(pc) =	sbr.rel .LBB1_4-.Ltmp4, $1  }
0x38: {  	_ =	sdelay $0x3  }
.LBB1_6:
0x39: {  	_ =	sfence.sel $0x180000  }
0x3a: {  	s2 =	simm.s32 $0x1;
	[bflag:$0x0] =	sbarrier.arrive $0xFFFF  }
0x3b: {  	s31 =	simm.s32 $0x2;
	[sflag:s2] =	ssyncpa.u1 $0x1  }
0x3c: {  	[sflag:s31] =	ssyncpa.u1 $0x1  }
0x3d: {  	p0 =	sne.s32 s0, $0x0;
	_ =	strace $0x9000004A  }
0x3e: {  	s0 =	sadd.s32 @!p0 $0x100000, s1;
	[bflag:$0x2] =	sbarrier.arrive $0xFFFF  }
0x3f: {  	[sflag:s0] =	ssyncadd.tile.s32 @!p0 $0x1;
	_ =	shalt  }
.Lfunc_end1:
_tile_overlayer_lowered:
.L_overlay_start_2:
0x40: {  	(tag) =	ssettag $0x2  }
0x41: {  	s0 =	rddreg [dreg:$0x0];
	s2 =	stileid.u32  }
0x42: {  	s1 =	rddreg [dreg:$0x1];
	p0 =	sne.s32 s2, $0x0  }
0x43: {  	s3 =	rddreg [dreg:$0x2];
	[bflag:$0x3] =	sbarrier.arrive $0xFFFF;
	s2 =	simm.s32 @!p0 $0x1C01  }
0x44: {  	[timem:s3], [sflag:s2] =	dma.local @!p0 [hbm:s0], s1  }
0x45: {  	s0 =	simm.s32 @!p0 $0x1  }
0x46: {  	_ =	swait.ge @!p0 [sflag:s0], s1  }
0x47: {  	s1 =	ssub.s32 @!p0 $0x0, s1;
	[sflag:s0] =	ssyncset.done @!p0 $0x0  }
0x48: {  	[sflag:s0] =	ssyncadd.s32 @!p0 s1  }
0x49: {  	[bflag:$0x3] =	sbarrier.arrive $0xFFFF  }
0x4a: {  	_ =	shalt  }

</sc_bundles>
